<compile_context>
chip_gen: v7x
topology: tpu7x:2x2x1
jax: 0.10.2.dev20260603
libtpu: 0.0.44.dev20260713+nightly
codegen_flags: <defaults>
</compile_context>

<pallas_src>
import functools

import jax
import jax.numpy as jnp
from jax import lax
from jax.experimental import pallas as pl
from jax.experimental.pallas import tpu as pltpu
from jax.experimental.pallas import tpu_sc as plsc

OUT_F = 4096
IN_F = 4096
CODESZ = 8
GRID_K = 65536

NC = 2
NS = 16
NW = NC * NS

B = OUT_F * (IN_F // CODESZ)
B_PER_W = B // NW
CHUNK = 4096
N_CHUNKS = B_PER_W // CHUNK
NBUF = 2


def _scale_body(s_ref, g_ref, o_ref):
    o_ref[...] = g_ref[...] * s_ref[0]


def _scale_grid(scale, grid2d):
    return pl.pallas_call(
        _scale_body,
        out_shape=jax.ShapeDtypeStruct(grid2d.shape, jnp.float32),
        in_specs=[
            pl.BlockSpec(memory_space=pltpu.SMEM),
            pl.BlockSpec(memory_space=pltpu.VMEM),
        ],
        out_specs=pl.BlockSpec(memory_space=pltpu.VMEM),
    )(scale, grid2d)


def _gather_body(table_hbm, idx_hbm, out_hbm,
                 idx0, idx1, rows0, rows1,
                 si0, si1, sg0, sg1, sw0, sw1):
    wid = lax.axis_index("s") * NC + lax.axis_index("c")
    base = wid * B_PER_W
    idx_v = (idx0, idx1)
    rows_v = (rows0, rows1)
    sem_i = (si0, si1)
    sem_g = (sg0, sg1)
    sem_w = (sw0, sw1)

    def start_idx(g, b):
        off = base + g * CHUNK
        return pltpu.async_copy(idx_hbm.at[pl.ds(off, CHUNK)], idx_v[b],
                                sem_i[b])

    def start_gather(b):
        return pltpu.async_copy(table_hbm.at[idx_v[b]], rows_v[b], sem_g[b])

    def start_write(g, b):
        off = base + g * CHUNK
        return pltpu.async_copy(rows_v[b], out_hbm.at[pl.ds(off, CHUNK)],
                                sem_w[b])

    pend_i = [start_idx(0, 0), start_idx(1, 1)]
    pend_g = [None, None]
    pend_w = [None, None]
    for g in range(N_CHUNKS):
        b = g % NBUF
        pend_i[b].wait()
        if pend_w[b] is not None:
            pend_w[b].wait()
        pend_g[b] = start_gather(b)
        pend_g[b].wait()
        pend_w[b] = start_write(g, b)
        if g + NBUF < N_CHUNKS:
            pend_i[b] = start_idx(g + NBUF, b)
    for b in range(NBUF):
        if pend_w[b] is not None:
            pend_w[b].wait()


_gather_call = functools.partial(
    pl.kernel,
    out_type=jax.ShapeDtypeStruct((B, CODESZ), jnp.float32),
    mesh=plsc.VectorSubcoreMesh(core_axis_name="c", subcore_axis_name="s"),
    scratch_types=[
        pltpu.VMEM((CHUNK,), jnp.int32),
        pltpu.VMEM((CHUNK,), jnp.int32),
        pltpu.VMEM((CHUNK, CODESZ), jnp.float32),
        pltpu.VMEM((CHUNK, CODESZ), jnp.float32),
        pltpu.SemaphoreType.DMA,
        pltpu.SemaphoreType.DMA,
        pltpu.SemaphoreType.DMA,
        pltpu.SemaphoreType.DMA,
        pltpu.SemaphoreType.DMA,
        pltpu.SemaphoreType.DMA,
    ],
    compiler_params=pltpu.CompilerParams(use_tc_tiling_on_sc=False),
)(_gather_body)


def kernel(weight_q, scale, grid):
    idx = weight_q.astype(jnp.int32).reshape(-1)
    scaled = _scale_grid(scale, grid.reshape(GRID_K // 16, CODESZ * 16))
    out = _gather_call(scaled.reshape(GRID_K, CODESZ), idx)
    return out.reshape(OUT_F, IN_F)

# --- scband reference (transcript-rebuilt; emitter-appended) ---
"""Pipeline reference for scband-e8-pquantized-weights-29317446762951 (READ-ONLY COPY).

The authoritative reference and input builder live on the scoring server;
editing this copy changes nothing except your own understanding.
"""

import jax, jax.numpy as jnp
import numpy as np

OUT_FEATURES = 4096
IN_FEATURES = 4096
CODESZ = 8
GRID_K = 65536

def setup_inputs(seed: int = 0) -> dict:
    key = jax.random.key(seed)
    k1, k2, k3 = jax.random.split(key, 3)
    weight_q = jax.random.randint(k1, (OUT_FEATURES, IN_FEATURES // CODESZ), 0, GRID_K, dtype=jnp.int32).astype(jnp.int64)
    scale = jax.random.uniform(k2, (1,), dtype=jnp.float32)
    grid = jax.random.normal(k3, (GRID_K, CODESZ), dtype=jnp.float32)
    return {"weight_q": weight_q, "scale": scale, "grid": grid}

def reference(weight_q, scale, grid):
    # dequantize: grid[weight_q] -> [out, in//8, 8] -> reshape [out, in], times scale
    codes = jnp.take(grid, weight_q.astype(jnp.int32), axis=0)
    w = codes.reshape(OUT_FEATURES, IN_FEATURES) * scale
    return w.astype(jnp.float32)

if __name__ == "__main__":
    import jax
    _d = setup_inputs()
    print(jax.jit(kernel)(*tuple(_d.values())))

</pallas_src>

<mosaic_0001>
#map = affine_map<(d0, d1) -> (0, 0)>
#map1 = affine_map<(d0, d1) -> (0)>
module attributes {stable_mosaic.version = 14 : i64} {
  func.func @_gather_body(%arg0: i32, %arg1: i32, %arg2: memref<65536x8xf32, #tpu.memory_space<hbm>>, %arg3: memref<2097152xi32, #tpu.memory_space<hbm>>, %arg4: memref<2097152x8xf32, #tpu.memory_space<hbm>>, %arg5: memref<4096xi32, #tpu.memory_space<vmem>>, %arg6: memref<4096xi32, #tpu.memory_space<vmem>>, %arg7: memref<4096x8xf32, #tpu.memory_space<vmem>>, %arg8: memref<4096x8xf32, #tpu.memory_space<vmem>>, %arg9: memref<!tpu.dma_semaphore, #tpu.memory_space<semaphore_mem>>, %arg10: memref<!tpu.dma_semaphore, #tpu.memory_space<semaphore_mem>>, %arg11: memref<!tpu.dma_semaphore, #tpu.memory_space<semaphore_mem>>, %arg12: memref<!tpu.dma_semaphore, #tpu.memory_space<semaphore_mem>>, %arg13: memref<!tpu.dma_semaphore, #tpu.memory_space<semaphore_mem>>, %arg14: memref<!tpu.dma_semaphore, #tpu.memory_space<semaphore_mem>>) attributes {dimension_semantics = [#tpu.dimension_semantics<core_parallel>, #tpu.dimension_semantics<subcore_parallel>], iteration_bounds = array<i64: 2, 16>, scalar_prefetch = 0 : i64, scratch_operands = 10 : i64, tpu.core_type = #tpu.core_type<sc_vector_subcore>, window_params = [{transform_indices = #map}, {transform_indices = #map1}, {transform_indices = #map}]} {
    %mul3A = arith.constant 2 : i32
    %mul3A_0 = arith.muli %arg1, %mul3A : i32
    %add3A = arith.addi %mul3A_0, %arg0 : i32
    %mul3A_1 = arith.constant 65536 : i32
    %mul3A_2 = arith.muli %add3A, %mul3A_1 : i32
    %add3A_3 = arith.constant 0 : i32
    %add3A_4 = arith.addi %mul3A_2, %add3A_3 : i32
    %dma_start3A = tpu.memref_slice %arg3[%add3A_4] : memref<2097152xi32, #tpu.memory_space<hbm>> -> memref<4096xi32, #tpu.memory_space<hbm>>
    %dma_start3A_5 = tpu.memref_slice %arg3[%add3A_4] : memref<2097152xi32, #tpu.memory_space<hbm>> -> memref<4096xi32, #tpu.memory_space<hbm>>
    tpu.enqueue_dma source(%dma_start3A_5 : memref<4096xi32, #tpu.memory_space<hbm>>) target(%arg5 : memref<4096xi32, #tpu.memory_space<vmem>>) target_semaphore(%arg9 : memref<!tpu.dma_semaphore, #tpu.memory_space<semaphore_mem>>)
    %add3A_6 = arith.constant 4096 : i32
    %add3A_7 = arith.addi %mul3A_2, %add3A_6 : i32
    %dma_start3A_8 = tpu.memref_slice %arg3[%add3A_7] : memref<2097152xi32, #tpu.memory_space<hbm>> -> memref<4096xi32, #tpu.memory_space<hbm>>
    %dma_start3A_9 = tpu.memref_slice %arg3[%add3A_7] : memref<2097152xi32, #tpu.memory_space<hbm>> -> memref<4096xi32, #tpu.memory_space<hbm>>
    tpu.enqueue_dma source(%dma_start3A_9 : memref<4096xi32, #tpu.memory_space<hbm>>) target(%arg6 : memref<4096xi32, #tpu.memory_space<vmem>>) target_semaphore(%arg10 : memref<!tpu.dma_semaphore, #tpu.memory_space<semaphore_mem>>)
    %dma_wait3A = tpu.memref_slice %arg3[%add3A_4] : memref<2097152xi32, #tpu.memory_space<hbm>> -> memref<4096xi32, #tpu.memory_space<hbm>>
    %dma_wait3A_10 = tpu.memref_slice %arg3[%add3A_4] : memref<2097152xi32, #tpu.memory_space<hbm>> -> memref<4096xi32, #tpu.memory_space<hbm>>
    tpu.wait_dma2 semaphore(%arg9 : memref<!tpu.dma_semaphore, #tpu.memory_space<semaphore_mem>>) src(%dma_wait3A_10 : memref<4096xi32, #tpu.memory_space<hbm>>) dst(%arg5 : memref<4096xi32, #tpu.memory_space<vmem>>)
    %dma_start3A_11 = arith.constant 0 : i32
    %dma_start3A_12 = arith.constant 0 : i32
    %dma_start3A_13 = tpu.memref_slice %arg2[%dma_start3A_11, %dma_start3A_12] : memref<65536x8xf32, #tpu.memory_space<hbm>> -> memref<65536x8xf32, #tpu.memory_space<hbm>>
    tpu.enqueue_indirect_dma source(%dma_start3A_13 : memref<65536x8xf32, #tpu.memory_space<hbm>>) target(%arg7 : memref<4096x8xf32, #tpu.memory_space<vmem>>) offsets(%arg5 : memref<4096xi32, #tpu.memory_space<vmem>>) semaphore(%arg11 : memref<!tpu.dma_semaphore, #tpu.memory_space<semaphore_mem>>)
    %dma_wait3A_14 = arith.constant 0 : i32
    %dma_wait3A_15 = arith.constant 0 : i32
    %dma_wait3A_16 = tpu.memref_slice %arg2[%dma_wait3A_14, %dma_wait3A_15] : memref<65536x8xf32, #tpu.memory_space<hbm>> -> memref<65536x8xf32, #tpu.memory_space<hbm>>
    tpu.wait_indirect_dma semaphore(%arg11 : memref<!tpu.dma_semaphore, #tpu.memory_space<semaphore_mem>>) src(%dma_wait3A_16 : memref<65536x8xf32, #tpu.memory_space<hbm>>) dst(%arg7 : memref<4096x8xf32, #tpu.memory_space<vmem>>)
    %add3A_17 = arith.constant 0 : i32
    %add3A_18 = arith.addi %mul3A_2, %add3A_17 : i32
    %dma_start3A_19 = arith.constant 0 : i32
    %dma_start3A_20 = tpu.memref_slice %arg4[%add3A_18, %dma_start3A_19] : memref<2097152x8xf32, #tpu.memory_space<hbm>> -> memref<4096x8xf32, #tpu.memory_space<hbm>>
    %dma_start3A_21 = arith.constant 0 : i32
    %dma_start3A_22 = tpu.memref_slice %arg4[%add3A_18, %dma_start3A_21] : memref<2097152x8xf32, #tpu.memory_space<hbm>> -> memref<4096x8xf32, #tpu.memory_space<hbm>>
    tpu.enqueue_dma source(%arg7 : memref<4096x8xf32, #tpu.memory_space<vmem>>) target(%dma_start3A_22 : memref<4096x8xf32, #tpu.memory_space<hbm>>) target_semaphore(%arg13 : memref<!tpu.dma_semaphore, #tpu.memory_space<semaphore_mem>>)
    %add3A_23 = arith.constant 8192 : i32
    %add3A_24 = arith.addi %mul3A_2, %add3A_23 : i32
    %dma_start3A_25 = tpu.memref_slice %arg3[%add3A_24] : memref<2097152xi32, #tpu.memory_space<hbm>> -> memref<4096xi32, #tpu.memory_space<hbm>>
    %dma_start3A_26 = tpu.memref_slice %arg3[%add3A_24] : memref<2097152xi32, #tpu.memory_space<hbm>> -> memref<4096xi32, #tpu.memory_space<hbm>>
    tpu.enqueue_dma source(%dma_start3A_26 : memref<4096xi32, #tpu.memory_space<hbm>>) target(%arg5 : memref<4096xi32, #tpu.memory_space<vmem>>) target_semaphore(%arg9 : memref<!tpu.dma_semaphore, #tpu.memory_space<semaphore_mem>>)
    %dma_wait3A_27 = tpu.memref_slice %arg3[%add3A_7] : memref<2097152xi32, #tpu.memory_space<hbm>> -> memref<4096xi32, #tpu.memory_space<hbm>>
    %dma_wait3A_28 = tpu.memref_slice %arg3[%add3A_7] : memref<2097152xi32, #tpu.memory_space<hbm>> -> memref<4096xi32, #tpu.memory_space<hbm>>
    tpu.wait_dma2 semaphore(%arg10 : memref<!tpu.dma_semaphore, #tpu.memory_space<semaphore_mem>>) src(%dma_wait3A_28 : memref<4096xi32, #tpu.memory_space<hbm>>) dst(%arg6 : memref<4096xi32, #tpu.memory_space<vmem>>)
    %dma_start3A_29 = arith.constant 0 : i32
    %dma_start3A_30 = arith.constant 0 : i32
    %dma_start3A_31 = tpu.memref_slice %arg2[%dma_start3A_29, %dma_start3A_30] : memref<65536x8xf32, #tpu.memory_space<hbm>> -> memref<65536x8xf32, #tpu.memory_space<hbm>>
    tpu.enqueue_indirect_dma source(%dma_start3A_31 : memref<65536x8xf32, #tpu.memory_space<hbm>>) target(%arg8 : memref<4096x8xf32, #tpu.memory_space<vmem>>) offsets(%arg6 : memref<4096xi32, #tpu.memory_space<vmem>>) semaphore(%arg12 : memref<!tpu.dma_semaphore, #tpu.memory_space<semaphore_mem>>)
    %dma_wait3A_32 = arith.constant 0 : i32
    %dma_wait3A_33 = arith.constant 0 : i32
    %dma_wait3A_34 = tpu.memref_slice %arg2[%dma_wait3A_32, %dma_wait3A_33] : memref<65536x8xf32, #tpu.memory_space<hbm>> -> memref<65536x8xf32, #tpu.memory_space<hbm>>
    tpu.wait_indirect_dma semaphore(%arg12 : memref<!tpu.dma_semaphore, #tpu.memory_space<semaphore_mem>>) src(%dma_wait3A_34 : memref<65536x8xf32, #tpu.memory_space<hbm>>) dst(%arg8 : memref<4096x8xf32, #tpu.memory_space<vmem>>)
    %add3A_35 = arith.constant 4096 : i32
    %add3A_36 = arith.addi %mul3A_2, %add3A_35 : i32
    %dma_start3A_37 = arith.constant 0 : i32
    %dma_start3A_38 = tpu.memref_slice %arg4[%add3A_36, %dma_start3A_37] : memref<2097152x8xf32, #tpu.memory_space<hbm>> -> memref<4096x8xf32, #tpu.memory_space<hbm>>
    %dma_start3A_39 = arith.constant 0 : i32
    %dma_start3A_40 = tpu.memref_slice %arg4[%add3A_36, %dma_start3A_39] : memref<2097152x8xf32, #tpu.memory_space<hbm>> -> memref<4096x8xf32, #tpu.memory_space<hbm>>
    tpu.enqueue_dma source(%arg8 : memref<4096x8xf32, #tpu.memory_space<vmem>>) target(%dma_start3A_40 : memref<4096x8xf32, #tpu.memory_space<hbm>>) target_semaphore(%arg14 : memref<!tpu.dma_semaphore, #tpu.memory_space<semaphore_mem>>)
    %add3A_41 = arith.constant 12288 : i32
    %add3A_42 = arith.addi %mul3A_2, %add3A_41 : i32
    %dma_start3A_43 = tpu.memref_slice %arg3[%add3A_42] : memref<2097152xi32, #tpu.memory_space<hbm>> -> memref<4096xi32, #tpu.memory_space<hbm>>
    %dma_start3A_44 = tpu.memref_slice %arg3[%add3A_42] : memref<2097152xi32, #tpu.memory_space<hbm>> -> memref<4096xi32, #tpu.memory_space<hbm>>
    tpu.enqueue_dma source(%dma_start3A_44 : memref<4096xi32, #tpu.memory_space<hbm>>) target(%arg6 : memref<4096xi32, #tpu.memory_space<vmem>>) target_semaphore(%arg10 : memref<!tpu.dma_semaphore, #tpu.memory_space<semaphore_mem>>)
    %dma_wait3A_45 = tpu.memref_slice %arg3[%add3A_24] : memref<2097152xi32, #tpu.memory_space<hbm>> -> memref<4096xi32, #tpu.memory_space<hbm>>
    %dma_wait3A_46 = tpu.memref_slice %arg3[%add3A_24] : memref<2097152xi32, #tpu.memory_space<hbm>> -> memref<4096xi32, #tpu.memory_space<hbm>>
    tpu.wait_dma2 semaphore(%arg9 : memref<!tpu.dma_semaphore, #tpu.memory_space<semaphore_mem>>) src(%dma_wait3A_46 : memref<4096xi32, #tpu.memory_space<hbm>>) dst(%arg5 : memref<4096xi32, #tpu.memory_space<vmem>>)
    %dma_wait3A_47 = arith.constant 0 : i32
    %dma_wait3A_48 = tpu.memref_slice %arg4[%add3A_18, %dma_wait3A_47] : memref<2097152x8xf32, #tpu.memory_space<hbm>> -> memref<4096x8xf32, #tpu.memory_space<hbm>>
    %dma_wait3A_49 = arith.constant 0 : i32
    %dma_wait3A_50 = tpu.memref_slice %arg4[%add3A_18, %dma_wait3A_49] : memref<2097152x8xf32, #tpu.memory_space<hbm>> -> memref<4096x8xf32, #tpu.memory_space<hbm>>
    tpu.wait_dma2 semaphore(%arg13 : memref<!tpu.dma_semaphore, #tpu.memory_space<semaphore_mem>>) src(%arg7 : memref<4096x8xf32, #tpu.memory_space<vmem>>) dst(%dma_wait3A_50 : memref<4096x8xf32, #tpu.memory_space<hbm>>)
    %dma_start3A_51 = arith.constant 0 : i32
    %dma_start3A_52 = arith.constant 0 : i32
    %dma_start3A_53 = tpu.memref_slice %arg2[%dma_start3A_51, %dma_start3A_52] : memref<65536x8xf32, #tpu.memory_space<hbm>> -> memref<65536x8xf32, #tpu.memory_space<hbm>>
    tpu.enqueue_indirect_dma source(%dma_start3A_53 : memref<65536x8xf32, #tpu.memory_space<hbm>>) target(%arg7 : memref<4096x8xf32, #tpu.memory_space<vmem>>) offsets(%arg5 : memref<4096xi32, #tpu.memory_space<vmem>>) semaphore(%arg11 : memref<!tpu.dma_semaphore, #tpu.memory_space<semaphore_mem>>)
    %dma_wait3A_54 = arith.constant 0 : i32
    %dma_wait3A_55 = arith.constant 0 : i32
    %dma_wait3A_56 = tpu.memref_slice %arg2[%dma_wait3A_54, %dma_wait3A_55] : memref<65536x8xf32, #tpu.memory_space<hbm>> -> memref<65536x8xf32, #tpu.memory_space<hbm>>
    tpu.wait_indirect_dma semaphore(%arg11 : memref<!tpu.dma_semaphore, #tpu.memory_space<semaphore_mem>>) src(%dma_wait3A_56 : memref<65536x8xf32, #tpu.memory_space<hbm>>) dst(%arg7 : memref<4096x8xf32, #tpu.memory_space<vmem>>)
    %add3A_57 = arith.constant 8192 : i32
    %add3A_58 = arith.addi %mul3A_2, %add3A_57 : i32
    %dma_start3A_59 = arith.constant 0 : i32
    %dma_start3A_60 = tpu.memref_slice %arg4[%add3A_58, %dma_start3A_59] : memref<2097152x8xf32, #tpu.memory_space<hbm>> -> memref<4096x8xf32, #tpu.memory_space<hbm>>
    %dma_start3A_61 = arith.constant 0 : i32
    %dma_start3A_62 = tpu.memref_slice %arg4[%add3A_58, %dma_start3A_61] : memref<2097152x8xf32, #tpu.memory_space<hbm>> -> memref<4096x8xf32, #tpu.memory_space<hbm>>
    tpu.enqueue_dma source(%arg7 : memref<4096x8xf32, #tpu.memory_space<vmem>>) target(%dma_start3A_62 : memref<4096x8xf32, #tpu.memory_space<hbm>>) target_semaphore(%arg13 : memref<!tpu.dma_semaphore, #tpu.memory_space<semaphore_mem>>)
    %add3A_63 = arith.constant 16384 : i32
    %add3A_64 = arith.addi %mul3A_2, %add3A_63 : i32
    %dma_start3A_65 = tpu.memref_slice %arg3[%add3A_64] : memref<2097152xi32, #tpu.memory_space<hbm>> -> memref<4096xi32, #tpu.memory_space<hbm>>
    %dma_start3A_66 = tpu.memref_slice %arg3[%add3A_64] : memref<2097152xi32, #tpu.memory_space<hbm>> -> memref<4096xi32, #tpu.memory_space<hbm>>
    tpu.enqueue_dma source(%dma_start3A_66 : memref<4096xi32, #tpu.memory_space<hbm>>) target(%arg5 : memref<4096xi32, #tpu.memory_space<vmem>>) target_semaphore(%arg9 : memref<!tpu.dma_semaphore, #tpu.memory_space<semaphore_mem>>)
    %dma_wait3A_67 = tpu.memref_slice %arg3[%add3A_42] : memref<2097152xi32, #tpu.memory_space<hbm>> -> memref<4096xi32, #tpu.memory_space<hbm>>
    %dma_wait3A_68 = tpu.memref_slice %arg3[%add3A_42] : memref<2097152xi32, #tpu.memory_space<hbm>> -> memref<4096xi32, #tpu.memory_space<hbm>>
    tpu.wait_dma2 semaphore(%arg10 : memref<!tpu.dma_semaphore, #tpu.memory_space<semaphore_mem>>) src(%dma_wait3A_68 : memref<4096xi32, #tpu.memory_space<hbm>>) dst(%arg6 : memref<4096xi32, #tpu.memory_space<vmem>>)
    %dma_wait3A_69 = arith.constant 0 : i32
    %dma_wait3A_70 = tpu.memref_slice %arg4[%add3A_36, %dma_wait3A_69] : memref<2097152x8xf32, #tpu.memory_space<hbm>> -> memref<4096x8xf32, #tpu.memory_space<hbm>>
    %dma_wait3A_71 = arith.constant 0 : i32
    %dma_wait3A_72 = tpu.memref_slice %arg4[%add3A_36, %dma_wait3A_71] : memref<2097152x8xf32, #tpu.memory_space<hbm>> -> memref<4096x8xf32, #tpu.memory_space<hbm>>
    tpu.wait_dma2 semaphore(%arg14 : memref<!tpu.dma_semaphore, #tpu.memory_space<semaphore_mem>>) src(%arg8 : memref<4096x8xf32, #tpu.memory_space<vmem>>) dst(%dma_wait3A_72 : memref<4096x8xf32, #tpu.memory_space<hbm>>)
    %dma_start3A_73 = arith.constant 0 : i32
    %dma_start3A_74 = arith.constant 0 : i32
    %dma_start3A_75 = tpu.memref_slice %arg2[%dma_start3A_73, %dma_start3A_74] : memref<65536x8xf32, #tpu.memory_space<hbm>> -> memref<65536x8xf32, #tpu.memory_space<hbm>>
    tpu.enqueue_indirect_dma source(%dma_start3A_75 : memref<65536x8xf32, #tpu.memory_space<hbm>>) target(%arg8 : memref<4096x8xf32, #tpu.memory_space<vmem>>) offsets(%arg6 : memref<4096xi32, #tpu.memory_space<vmem>>) semaphore(%arg12 : memref<!tpu.dma_semaphore, #tpu.memory_space<semaphore_mem>>)
    %dma_wait3A_76 = arith.constant 0 : i32
    %dma_wait3A_77 = arith.constant 0 : i32
    %dma_wait3A_78 = tpu.memref_slice %arg2[%dma_wait3A_76, %dma_wait3A_77] : memref<65536x8xf32, #tpu.memory_space<hbm>> -> memref<65536x8xf32, #tpu.memory_space<hbm>>
    tpu.wait_indirect_dma semaphore(%arg12 : memref<!tpu.dma_semaphore, #tpu.memory_space<semaphore_mem>>) src(%dma_wait3A_78 : memref<65536x8xf32, #tpu.memory_space<hbm>>) dst(%arg8 : memref<4096x8xf32, #tpu.memory_space<vmem>>)
    %add3A_79 = arith.constant 12288 : i32
    %add3A_80 = arith.addi %mul3A_2, %add3A_79 : i32
    %dma_start3A_81 = arith.constant 0 : i32
    %dma_start3A_82 = tpu.memref_slice %arg4[%add3A_80, %dma_start3A_81] : memref<2097152x8xf32, #tpu.memory_space<hbm>> -> memref<4096x8xf32, #tpu.memory_space<hbm>>
    %dma_start3A_83 = arith.constant 0 : i32
    %dma_start3A_84 = tpu.memref_slice %arg4[%add3A_80, %dma_start3A_83] : memref<2097152x8xf32, #tpu.memory_space<hbm>> -> memref<4096x8xf32, #tpu.memory_space<hbm>>
    tpu.enqueue_dma source(%arg8 : memref<4096x8xf32, #tpu.memory_space<vmem>>) target(%dma_start3A_84 : memref<4096x8xf32, #tpu.memory_space<hbm>>) target_semaphore(%arg14 : memref<!tpu.dma_semaphore, #tpu.memory_space<semaphore_mem>>)
    %add3A_85 = arith.constant 20480 : i32
    %add3A_86 = arith.addi %mul3A_2, %add3A_85 : i32
    %dma_start3A_87 = tpu.memref_slice %arg3[%add3A_86] : memref<2097152xi32, #tpu.memory_space<hbm>> -> memref<4096xi32, #tpu.memory_space<hbm>>
    %dma_start3A_88 = tpu.memref_slice %arg3[%add3A_86] : memref<2097152xi32, #tpu.memory_space<hbm>> -> memref<4096xi32, #tpu.memory_space<hbm>>
    tpu.enqueue_dma source(%dma_start3A_88 : memref<4096xi32, #tpu.memory_space<hbm>>) target(%arg6 : memref<4096xi32, #tpu.memory_space<vmem>>) target_semaphore(%arg10 : memref<!tpu.dma_semaphore, #tpu.memory_space<semaphore_mem>>)
    %dma_wait3A_89 = tpu.memref_slice %arg3[%add3A_64] : memref<2097152xi32, #tpu.memory_space<hbm>> -> memref<4096xi32, #tpu.memory_space<hbm>>
    %dma_wait3A_90 = tpu.memref_slice %arg3[%add3A_64] : memref<2097152xi32, #tpu.memory_space<hbm>> -> memref<4096xi32, #tpu.memory_space<hbm>>
    tpu.wait_dma2 semaphore(%arg9 : memref<!tpu.dma_semaphore, #tpu.memory_space<semaphore_mem>>) src(%dma_wait3A_90 : memref<4096xi32, #tpu.memory_space<hbm>>) dst(%arg5 : memref<4096xi32, #tpu.memory_space<vmem>>)
    %dma_wait3A_91 = arith.constant 0 : i32
    %dma_wait3A_92 = tpu.memref_slice %arg4[%add3A_58, %dma_wait3A_91] : memref<2097152x8xf32, #tpu.memory_space<hbm>> -> memref<4096x8xf32, #tpu.memory_space<hbm>>
    %dma_wait3A_93 = arith.constant 0 : i32
    %dma_wait3A_94 = tpu.memref_slice %arg4[%add3A_58, %dma_wait3A_93] : memref<2097152x8xf32, #tpu.memory_space<hbm>> -> memref<4096x8xf32, #tpu.memory_space<hbm>>
    tpu.wait_dma2 semaphore(%arg13 : memref<!tpu.dma_semaphore, #tpu.memory_space<semaphore_mem>>) src(%arg7 : memref<4096x8xf32, #tpu.memory_space<vmem>>) dst(%dma_wait3A_94 : memref<4096x8xf32, #tpu.memory_space<hbm>>)
    %dma_start3A_95 = arith.constant 0 : i32
    %dma_start3A_96 = arith.constant 0 : i32
    %dma_start3A_97 = tpu.memref_slice %arg2[%dma_start3A_95, %dma_start3A_96] : memref<65536x8xf32, #tpu.memory_space<hbm>> -> memref<65536x8xf32, #tpu.memory_space<hbm>>
    tpu.enqueue_indirect_dma source(%dma_start3A_97 : memref<65536x8xf32, #tpu.memory_space<hbm>>) target(%arg7 : memref<4096x8xf32, #tpu.memory_space<vmem>>) offsets(%arg5 : memref<4096xi32, #tpu.memory_space<vmem>>) semaphore(%arg11 : memref<!tpu.dma_semaphore, #tpu.memory_space<semaphore_mem>>)
    %dma_wait3A_98 = arith.constant 0 : i32
    %dma_wait3A_99 = arith.constant 0 : i32
    %dma_wait3A_100 = tpu.memref_slice %arg2[%dma_wait3A_98, %dma_wait3A_99] : memref<65536x8xf32, #tpu.memory_space<hbm>> -> memref<65536x8xf32, #tpu.memory_space<hbm>>
    tpu.wait_indirect_dma semaphore(%arg11 : memref<!tpu.dma_semaphore, #tpu.memory_space<semaphore_mem>>) src(%dma_wait3A_100 : memref<65536x8xf32, #tpu.memory_space<hbm>>) dst(%arg7 : memref<4096x8xf32, #tpu.memory_space<vmem>>)
    %add3A_101 = arith.constant 16384 : i32
    %add3A_102 = arith.addi %mul3A_2, %add3A_101 : i32
    %dma_start3A_103 = arith.constant 0 : i32
    %dma_start3A_104 = tpu.memref_slice %arg4[%add3A_102, %dma_start3A_103] : memref<2097152x8xf32, #tpu.memory_space<hbm>> -> memref<4096x8xf32, #tpu.memory_space<hbm>>
    %dma_start3A_105 = arith.constant 0 : i32
    %dma_start3A_106 = tpu.memref_slice %arg4[%add3A_102, %dma_start3A_105] : memref<2097152x8xf32, #tpu.memory_space<hbm>> -> memref<4096x8xf32, #tpu.memory_space<hbm>>
    tpu.enqueue_dma source(%arg7 : memref<4096x8xf32, #tpu.memory_space<vmem>>) target(%dma_start3A_106 : memref<4096x8xf32, #tpu.memory_space<hbm>>) target_semaphore(%arg13 : memref<!tpu.dma_semaphore, #tpu.memory_space<semaphore_mem>>)
    %add3A_107 = arith.constant 24576 : i32
    %add3A_108 = arith.addi %mul3A_2, %add3A_107 : i32
    %dma_start3A_109 = tpu.memref_slice %arg3[%add3A_108] : memref<2097152xi32, #tpu.memory_space<hbm>> -> memref<4096xi32, #tpu.memory_space<hbm>>
    %dma_start3A_110 = tpu.memref_slice %arg3[%add3A_108] : memref<2097152xi32, #tpu.memory_space<hbm>> -> memref<4096xi32, #tpu.memory_space<hbm>>
    tpu.enqueue_dma source(%dma_start3A_110 : memref<4096xi32, #tpu.memory_space<hbm>>) target(%arg5 : memref<4096xi32, #tpu.memory_space<vmem>>) target_semaphore(%arg9 : memref<!tpu.dma_semaphore, #tpu.memory_space<semaphore_mem>>)
    %dma_wait3A_111 = tpu.memref_slice %arg3[%add3A_86] : memref<2097152xi32, #tpu.memory_space<hbm>> -> memref<4096xi32, #tpu.memory_space<hbm>>
    %dma_wait3A_112 = tpu.memref_slice %arg3[%add3A_86] : memref<2097152xi32, #tpu.memory_space<hbm>> -> memref<4096xi32, #tpu.memory_space<hbm>>
    tpu.wait_dma2 semaphore(%arg10 : memref<!tpu.dma_semaphore, #tpu.memory_space<semaphore_mem>>) src(%dma_wait3A_112 : memref<4096xi32, #tpu.memory_space<hbm>>) dst(%arg6 : memref<4096xi32, #tpu.memory_space<vmem>>)
    %dma_wait3A_113 = arith.constant 0 : i32
    %dma_wait3A_114 = tpu.memref_slice %arg4[%add3A_80, %dma_wait3A_113] : memref<2097152x8xf32, #tpu.memory_space<hbm>> -> memref<4096x8xf32, #tpu.memory_space<hbm>>
    %dma_wait3A_115 = arith.constant 0 : i32
    %dma_wait3A_116 = tpu.memref_slice %arg4[%add3A_80, %dma_wait3A_115] : memref<2097152x8xf32, #tpu.memory_space<hbm>> -> memref<4096x8xf32, #tpu.memory_space<hbm>>
    tpu.wait_dma2 semaphore(%arg14 : memref<!tpu.dma_semaphore, #tpu.memory_space<semaphore_mem>>) src(%arg8 : memref<4096x8xf32, #tpu.memory_space<vmem>>) dst(%dma_wait3A_116 : memref<4096x8xf32, #tpu.memory_space<hbm>>)
    %dma_start3A_117 = arith.constant 0 : i32
    %dma_start3A_118 = arith.constant 0 : i32
    %dma_start3A_119 = tpu.memref_slice %arg2[%dma_start3A_117, %dma_start3A_118] : memref<65536x8xf32, #tpu.memory_space<hbm>> -> memref<65536x8xf32, #tpu.memory_space<hbm>>
    tpu.enqueue_indirect_dma source(%dma_start3A_119 : memref<65536x8xf32, #tpu.memory_space<hbm>>) target(%arg8 : memref<4096x8xf32, #tpu.memory_space<vmem>>) offsets(%arg6 : memref<4096xi32, #tpu.memory_space<vmem>>) semaphore(%arg12 : memref<!tpu.dma_semaphore, #tpu.memory_space<semaphore_mem>>)
    %dma_wait3A_120 = arith.constant 0 : i32
    %dma_wait3A_121 = arith.constant 0 : i32
    %dma_wait3A_122 = tpu.memref_slice %arg2[%dma_wait3A_120, %dma_wait3A_121] : memref<65536x8xf32, #tpu.memory_space<hbm>> -> memref<65536x8xf32, #tpu.memory_space<hbm>>
    tpu.wait_indirect_dma semaphore(%arg12 : memref<!tpu.dma_semaphore, #tpu.memory_space<semaphore_mem>>) src(%dma_wait3A_122 : memref<65536x8xf32, #tpu.memory_space<hbm>>) dst(%arg8 : memref<4096x8xf32, #tpu.memory_space<vmem>>)
    %add3A_123 = arith.constant 20480 : i32
    %add3A_124 = arith.addi %mul3A_2, %add3A_123 : i32
    %dma_start3A_125 = arith.constant 0 : i32
    %dma_start3A_126 = tpu.memref_slice %arg4[%add3A_124, %dma_start3A_125] : memref<2097152x8xf32, #tpu.memory_space<hbm>> -> memref<4096x8xf32, #tpu.memory_space<hbm>>
    %dma_start3A_127 = arith.constant 0 : i32
    %dma_start3A_128 = tpu.memref_slice %arg4[%add3A_124, %dma_start3A_127] : memref<2097152x8xf32, #tpu.memory_space<hbm>> -> memref<4096x8xf32, #tpu.memory_space<hbm>>
    tpu.enqueue_dma source(%arg8 : memref<4096x8xf32, #tpu.memory_space<vmem>>) target(%dma_start3A_128 : memref<4096x8xf32, #tpu.memory_space<hbm>>) target_semaphore(%arg14 : memref<!tpu.dma_semaphore, #tpu.memory_space<semaphore_mem>>)
    %add3A_129 = arith.constant 28672 : i32
    %add3A_130 = arith.addi %mul3A_2, %add3A_129 : i32
    %dma_start3A_131 = tpu.memref_slice %arg3[%add3A_130] : memref<2097152xi32, #tpu.memory_space<hbm>> -> memref<4096xi32, #tpu.memory_space<hbm>>
    %dma_start3A_132 = tpu.memref_slice %arg3[%add3A_130] : memref<2097152xi32, #tpu.memory_space<hbm>> -> memref<4096xi32, #tpu.memory_space<hbm>>
    tpu.enqueue_dma source(%dma_start3A_132 : memref<4096xi32, #tpu.memory_space<hbm>>) target(%arg6 : memref<4096xi32, #tpu.memory_space<vmem>>) target_semaphore(%arg10 : memref<!tpu.dma_semaphore, #tpu.memory_space<semaphore_mem>>)
    %dma_wait3A_133 = tpu.memref_slice %arg3[%add3A_108] : memref<2097152xi32, #tpu.memory_space<hbm>> -> memref<4096xi32, #tpu.memory_space<hbm>>
    %dma_wait3A_134 = tpu.memref_slice %arg3[%add3A_108] : memref<2097152xi32, #tpu.memory_space<hbm>> -> memref<4096xi32, #tpu.memory_space<hbm>>
    tpu.wait_dma2 semaphore(%arg9 : memref<!tpu.dma_semaphore, #tpu.memory_space<semaphore_mem>>) src(%dma_wait3A_134 : memref<4096xi32, #tpu.memory_space<hbm>>) dst(%arg5 : memref<4096xi32, #tpu.memory_space<vmem>>)
    %dma_wait3A_135 = arith.constant 0 : i32
    %dma_wait3A_136 = tpu.memref_slice %arg4[%add3A_102, %dma_wait3A_135] : memref<2097152x8xf32, #tpu.memory_space<hbm>> -> memref<4096x8xf32, #tpu.memory_space<hbm>>
    %dma_wait3A_137 = arith.constant 0 : i32
    %dma_wait3A_138 = tpu.memref_slice %arg4[%add3A_102, %dma_wait3A_137] : memref<2097152x8xf32, #tpu.memory_space<hbm>> -> memref<4096x8xf32, #tpu.memory_space<hbm>>
    tpu.wait_dma2 semaphore(%arg13 : memref<!tpu.dma_semaphore, #tpu.memory_space<semaphore_mem>>) src(%arg7 : memref<4096x8xf32, #tpu.memory_space<vmem>>) dst(%dma_wait3A_138 : memref<4096x8xf32, #tpu.memory_space<hbm>>)
    %dma_start3A_139 = arith.constant 0 : i32
    %dma_start3A_140 = arith.constant 0 : i32
    %dma_start3A_141 = tpu.memref_slice %arg2[%dma_start3A_139, %dma_start3A_140] : memref<65536x8xf32, #tpu.memory_space<hbm>> -> memref<65536x8xf32, #tpu.memory_space<hbm>>
    tpu.enqueue_indirect_dma source(%dma_start3A_141 : memref<65536x8xf32, #tpu.memory_space<hbm>>) target(%arg7 : memref<4096x8xf32, #tpu.memory_space<vmem>>) offsets(%arg5 : memref<4096xi32, #tpu.memory_space<vmem>>) semaphore(%arg11 : memref<!tpu.dma_semaphore, #tpu.memory_space<semaphore_mem>>)
    %dma_wait3A_142 = arith.constant 0 : i32
    %dma_wait3A_143 = arith.constant 0 : i32
    %dma_wait3A_144 = tpu.memref_slice %arg2[%dma_wait3A_142, %dma_wait3A_143] : memref<65536x8xf32, #tpu.memory_space<hbm>> -> memref<65536x8xf32, #tpu.memory_space<hbm>>
    tpu.wait_indirect_dma semaphore(%arg11 : memref<!tpu.dma_semaphore, #tpu.memory_space<semaphore_mem>>) src(%dma_wait3A_144 : memref<65536x8xf32, #tpu.memory_space<hbm>>) dst(%arg7 : memref<4096x8xf32, #tpu.memory_space<vmem>>)
    %add3A_145 = arith.constant 24576 : i32
    %add3A_146 = arith.addi %mul3A_2, %add3A_145 : i32
    %dma_start3A_147 = arith.constant 0 : i32
    %dma_start3A_148 = tpu.memref_slice %arg4[%add3A_146, %dma_start3A_147] : memref<2097152x8xf32, #tpu.memory_space<hbm>> -> memref<4096x8xf32, #tpu.memory_space<hbm>>
    %dma_start3A_149 = arith.constant 0 : i32
    %dma_start3A_150 = tpu.memref_slice %arg4[%add3A_146, %dma_start3A_149] : memref<2097152x8xf32, #tpu.memory_space<hbm>> -> memref<4096x8xf32, #tpu.memory_space<hbm>>
    tpu.enqueue_dma source(%arg7 : memref<4096x8xf32, #tpu.memory_space<vmem>>) target(%dma_start3A_150 : memref<4096x8xf32, #tpu.memory_space<hbm>>) target_semaphore(%arg13 : memref<!tpu.dma_semaphore, #tpu.memory_space<semaphore_mem>>)
    %add3A_151 = arith.constant 32768 : i32
    %add3A_152 = arith.addi %mul3A_2, %add3A_151 : i32
    %dma_start3A_153 = tpu.memref_slice %arg3[%add3A_152] : memref<2097152xi32, #tpu.memory_space<hbm>> -> memref<4096xi32, #tpu.memory_space<hbm>>
    %dma_start3A_154 = tpu.memref_slice %arg3[%add3A_152] : memref<2097152xi32, #tpu.memory_space<hbm>> -> memref<4096xi32, #tpu.memory_space<hbm>>
    tpu.enqueue_dma source(%dma_start3A_154 : memref<4096xi32, #tpu.memory_space<hbm>>) target(%arg5 : memref<4096xi32, #tpu.memory_space<vmem>>) target_semaphore(%arg9 : memref<!tpu.dma_semaphore, #tpu.memory_space<semaphore_mem>>)
    %dma_wait3A_155 = tpu.memref_slice %arg3[%add3A_130] : memref<2097152xi32, #tpu.memory_space<hbm>> -> memref<4096xi32, #tpu.memory_space<hbm>>
    %dma_wait3A_156 = tpu.memref_slice %arg3[%add3A_130] : memref<2097152xi32, #tpu.memory_space<hbm>> -> memref<4096xi32, #tpu.memory_space<hbm>>
    tpu.wait_dma2 semaphore(%arg10 : memref<!tpu.dma_semaphore, #tpu.memory_space<semaphore_mem>>) src(%dma_wait3A_156 : memref<4096xi32, #tpu.memory_space<hbm>>) dst(%arg6 : memref<4096xi32, #tpu.memory_space<vmem>>)
    %dma_wait3A_157 = arith.constant 0 : i32
    %dma_wait3A_158 = tpu.memref_slice %arg4[%add3A_124, %dma_wait3A_157] : memref<2097152x8xf32, #tpu.memory_space<hbm>> -> memref<4096x8xf32, #tpu.memory_space<hbm>>
    %dma_wait3A_159 = arith.constant 0 : i32
    %dma_wait3A_160 = tpu.memref_slice %arg4[%add3A_124, %dma_wait3A_159] : memref<2097152x8xf32, #tpu.memory_space<hbm>> -> memref<4096x8xf32, #tpu.memory_space<hbm>>
    tpu.wait_dma2 semaphore(%arg14 : memref<!tpu.dma_semaphore, #tpu.memory_space<semaphore_mem>>) src(%arg8 : memref<4096x8xf32, #tpu.memory_space<vmem>>) dst(%dma_wait3A_160 : memref<4096x8xf32, #tpu.memory_space<hbm>>)
    %dma_start3A_161 = arith.constant 0 : i32
    %dma_start3A_162 = arith.constant 0 : i32
    %dma_start3A_163 = tpu.memref_slice %arg2[%dma_start3A_161, %dma_start3A_162] : memref<65536x8xf32, #tpu.memory_space<hbm>> -> memref<65536x8xf32, #tpu.memory_space<hbm>>
    tpu.enqueue_indirect_dma source(%dma_start3A_163 : memref<65536x8xf32, #tpu.memory_space<hbm>>) target(%arg8 : memref<4096x8xf32, #tpu.memory_space<vmem>>) offsets(%arg6 : memref<4096xi32, #tpu.memory_space<vmem>>) semaphore(%arg12 : memref<!tpu.dma_semaphore, #tpu.memory_space<semaphore_mem>>)
    %dma_wait3A_164 = arith.constant 0 : i32
    %dma_wait3A_165 = arith.constant 0 : i32
    %dma_wait3A_166 = tpu.memref_slice %arg2[%dma_wait3A_164, %dma_wait3A_165] : memref<65536x8xf32, #tpu.memory_space<hbm>> -> memref<65536x8xf32, #tpu.memory_space<hbm>>
    tpu.wait_indirect_dma semaphore(%arg12 : memref<!tpu.dma_semaphore, #tpu.memory_space<semaphore_mem>>) src(%dma_wait3A_166 : memref<65536x8xf32, #tpu.memory_space<hbm>>) dst(%arg8 : memref<4096x8xf32, #tpu.memory_space<vmem>>)
    %add3A_167 = arith.constant 28672 : i32
    %add3A_168 = arith.addi %mul3A_2, %add3A_167 : i32
    %dma_start3A_169 = arith.constant 0 : i32
    %dma_start3A_170 = tpu.memref_slice %arg4[%add3A_168, %dma_start3A_169] : memref<2097152x8xf32, #tpu.memory_space<hbm>> -> memref<4096x8xf32, #tpu.memory_space<hbm>>
    %dma_start3A_171 = arith.constant 0 : i32
    %dma_start3A_172 = tpu.memref_slice %arg4[%add3A_168, %dma_start3A_171] : memref<2097152x8xf32, #tpu.memory_space<hbm>> -> memref<4096x8xf32, #tpu.memory_space<hbm>>
    tpu.enqueue_dma source(%arg8 : memref<4096x8xf32, #tpu.memory_space<vmem>>) target(%dma_start3A_172 : memref<4096x8xf32, #tpu.memory_space<hbm>>) target_semaphore(%arg14 : memref<!tpu.dma_semaphore, #tpu.memory_space<semaphore_mem>>)
    %add3A_173 = arith.constant 36864 : i32
    %add3A_174 = arith.addi %mul3A_2, %add3A_173 : i32
    %dma_start3A_175 = tpu.memref_slice %arg3[%add3A_174] : memref<2097152xi32, #tpu.memory_space<hbm>> -> memref<4096xi32, #tpu.memory_space<hbm>>
    %dma_start3A_176 = tpu.memref_slice %arg3[%add3A_174] : memref<2097152xi32, #tpu.memory_space<hbm>> -> memref<4096xi32, #tpu.memory_space<hbm>>
    tpu.enqueue_dma source(%dma_start3A_176 : memref<4096xi32, #tpu.memory_space<hbm>>) target(%arg6 : memref<4096xi32, #tpu.memory_space<vmem>>) target_semaphore(%arg10 : memref<!tpu.dma_semaphore, #tpu.memory_space<semaphore_mem>>)
    %dma_wait3A_177 = tpu.memref_slice %arg3[%add3A_152] : memref<2097152xi32, #tpu.memory_space<hbm>> -> memref<4096xi32, #tpu.memory_space<hbm>>
    %dma_wait3A_178 = tpu.memref_slice %arg3[%add3A_152] : memref<2097152xi32, #tpu.memory_space<hbm>> -> memref<4096xi32, #tpu.memory_space<hbm>>
    tpu.wait_dma2 semaphore(%arg9 : memref<!tpu.dma_semaphore, #tpu.memory_space<semaphore_mem>>) src(%dma_wait3A_178 : memref<4096xi32, #tpu.memory_space<hbm>>) dst(%arg5 : memref<4096xi32, #tpu.memory_space<vmem>>)
    %dma_wait3A_179 = arith.constant 0 : i32
    %dma_wait3A_180 = tpu.memref_slice %arg4[%add3A_146, %dma_wait3A_179] : memref<2097152x8xf32, #tpu.memory_space<hbm>> -> memref<4096x8xf32, #tpu.memory_space<hbm>>
    %dma_wait3A_181 = arith.constant 0 : i32
    %dma_wait3A_182 = tpu.memref_slice %arg4[%add3A_146, %dma_wait3A_181] : memref<2097152x8xf32, #tpu.memory_space<hbm>> -> memref<4096x8xf32, #tpu.memory_space<hbm>>
    tpu.wait_dma2 semaphore(%arg13 : memref<!tpu.dma_semaphore, #tpu.memory_space<semaphore_mem>>) src(%arg7 : memref<4096x8xf32, #tpu.memory_space<vmem>>) dst(%dma_wait3A_182 : memref<4096x8xf32, #tpu.memory_space<hbm>>)
    %dma_start3A_183 = arith.constant 0 : i32
    %dma_start3A_184 = arith.constant 0 : i32
    %dma_start3A_185 = tpu.memref_slice %arg2[%dma_start3A_183, %dma_start3A_184] : memref<65536x8xf32, #tpu.memory_space<hbm>> -> memref<65536x8xf32, #tpu.memory_space<hbm>>
    tpu.enqueue_indirect_dma source(%dma_start3A_185 : memref<65536x8xf32, #tpu.memory_space<hbm>>) target(%arg7 : memref<4096x8xf32, #tpu.memory_space<vmem>>) offsets(%arg5 : memref<4096xi32, #tpu.memory_space<vmem>>) semaphore(%arg11 : memref<!tpu.dma_semaphore, #tpu.memory_space<semaphore_mem>>)
    %dma_wait3A_186 = arith.constant 0 : i32
    %dma_wait3A_187 = arith.constant 0 : i32
    %dma_wait3A_188 = tpu.memref_slice %arg2[%dma_wait3A_186, %dma_wait3A_187] : memref<65536x8xf32, #tpu.memory_space<hbm>> -> memref<65536x8xf32, #tpu.memory_space<hbm>>
    tpu.wait_indirect_dma semaphore(%arg11 : memref<!tpu.dma_semaphore, #tpu.memory_space<semaphore_mem>>) src(%dma_wait3A_188 : memref<65536x8xf32, #tpu.memory_space<hbm>>) dst(%arg7 : memref<4096x8xf32, #tpu.memory_space<vmem>>)
    %add3A_189 = arith.constant 32768 : i32
    %add3A_190 = arith.addi %mul3A_2, %add3A_189 : i32
    %dma_start3A_191 = arith.constant 0 : i32
    %dma_start3A_192 = tpu.memref_slice %arg4[%add3A_190, %dma_start3A_191] : memref<2097152x8xf32, #tpu.memory_space<hbm>> -> memref<4096x8xf32, #tpu.memory_space<hbm>>
    %dma_start3A_193 = arith.constant 0 : i32
    %dma_start3A_194 = tpu.memref_slice %arg4[%add3A_190, %dma_start3A_193] : memref<2097152x8xf32, #tpu.memory_space<hbm>> -> memref<4096x8xf32, #tpu.memory_space<hbm>>
    tpu.enqueue_dma source(%arg7 : memref<4096x8xf32, #tpu.memory_space<vmem>>) target(%dma_start3A_194 : memref<4096x8xf32, #tpu.memory_space<hbm>>) target_semaphore(%arg13 : memref<!tpu.dma_semaphore, #tpu.memory_space<semaphore_mem>>)
    %add3A_195 = arith.constant 40960 : i32
    %add3A_196 = arith.addi %mul3A_2, %add3A_195 : i32
    %dma_start3A_197 = tpu.memref_slice %arg3[%add3A_196] : memref<2097152xi32, #tpu.memory_space<hbm>> -> memref<4096xi32, #tpu.memory_space<hbm>>
    %dma_start3A_198 = tpu.memref_slice %arg3[%add3A_196] : memref<2097152xi32, #tpu.memory_space<hbm>> -> memref<4096xi32, #tpu.memory_space<hbm>>
    tpu.enqueue_dma source(%dma_start3A_198 : memref<4096xi32, #tpu.memory_space<hbm>>) target(%arg5 : memref<4096xi32, #tpu.memory_space<vmem>>) target_semaphore(%arg9 : memref<!tpu.dma_semaphore, #tpu.memory_space<semaphore_mem>>)
    %dma_wait3A_199 = tpu.memref_slice %arg3[%add3A_174] : memref<2097152xi32, #tpu.memory_space<hbm>> -> memref<4096xi32, #tpu.memory_space<hbm>>
    %dma_wait3A_200 = tpu.memref_slice %arg3[%add3A_174] : memref<2097152xi32, #tpu.memory_space<hbm>> -> memref<4096xi32, #tpu.memory_space<hbm>>
    tpu.wait_dma2 semaphore(%arg10 : memref<!tpu.dma_semaphore, #tpu.memory_space<semaphore_mem>>) src(%dma_wait3A_200 : memref<4096xi32, #tpu.memory_space<hbm>>) dst(%arg6 : memref<4096xi32, #tpu.memory_space<vmem>>)
    %dma_wait3A_201 = arith.constant 0 : i32
    %dma_wait3A_202 = tpu.memref_slice %arg4[%add3A_168, %dma_wait3A_201] : memref<2097152x8xf32, #tpu.memory_space<hbm>> -> memref<4096x8xf32, #tpu.memory_space<hbm>>
    %dma_wait3A_203 = arith.constant 0 : i32
    %dma_wait3A_204 = tpu.memref_slice %arg4[%add3A_168, %dma_wait3A_203] : memref<2097152x8xf32, #tpu.memory_space<hbm>> -> memref<4096x8xf32, #tpu.memory_space<hbm>>
    tpu.wait_dma2 semaphore(%arg14 : memref<!tpu.dma_semaphore, #tpu.memory_space<semaphore_mem>>) src(%arg8 : memref<4096x8xf32, #tpu.memory_space<vmem>>) dst(%dma_wait3A_204 : memref<4096x8xf32, #tpu.memory_space<hbm>>)
    %dma_start3A_205 = arith.constant 0 : i32
    %dma_start3A_206 = arith.constant 0 : i32
    %dma_start3A_207 = tpu.memref_slice %arg2[%dma_start3A_205, %dma_start3A_206] : memref<65536x8xf32, #tpu.memory_space<hbm>> -> memref<65536x8xf32, #tpu.memory_space<hbm>>
    tpu.enqueue_indirect_dma source(%dma_start3A_207 : memref<65536x8xf32, #tpu.memory_space<hbm>>) target(%arg8 : memref<4096x8xf32, #tpu.memory_space<vmem>>) offsets(%arg6 : memref<4096xi32, #tpu.memory_space<vmem>>) semaphore(%arg12 : memref<!tpu.dma_semaphore, #tpu.memory_space<semaphore_mem>>)
    %dma_wait3A_208 = arith.constant 0 : i32
    %dma_wait3A_209 = arith.constant 0 : i32
    %dma_wait3A_210 = tpu.memref_slice %arg2[%dma_wait3A_208, %dma_wait3A_209] : memref<65536x8xf32, #tpu.memory_space<hbm>> -> memref<65536x8xf32, #tpu.memory_space<hbm>>
    tpu.wait_indirect_dma semaphore(%arg12 : memref<!tpu.dma_semaphore, #tpu.memory_space<semaphore_mem>>) src(%dma_wait3A_210 : memref<65536x8xf32, #tpu.memory_space<hbm>>) dst(%arg8 : memref<4096x8xf32, #tpu.memory_space<vmem>>)
    %add3A_211 = arith.constant 36864 : i32
    %add3A_212 = arith.addi %mul3A_2, %add3A_211 : i32
    %dma_start3A_213 = arith.constant 0 : i32
    %dma_start3A_214 = tpu.memref_slice %arg4[%add3A_212, %dma_start3A_213] : memref<2097152x8xf32, #tpu.memory_space<hbm>> -> memref<4096x8xf32, #tpu.memory_space<hbm>>
    %dma_start3A_215 = arith.constant 0 : i32
    %dma_start3A_216 = tpu.memref_slice %arg4[%add3A_212, %dma_start3A_215] : memref<2097152x8xf32, #tpu.memory_space<hbm>> -> memref<4096x8xf32, #tpu.memory_space<hbm>>
    tpu.enqueue_dma source(%arg8 : memref<4096x8xf32, #tpu.memory_space<vmem>>) target(%dma_start3A_216 : memref<4096x8xf32, #tpu.memory_space<hbm>>) target_semaphore(%arg14 : memref<!tpu.dma_semaphore, #tpu.memory_space<semaphore_mem>>)
    %add3A_217 = arith.constant 45056 : i32
    %add3A_218 = arith.addi %mul3A_2, %add3A_217 : i32
    %dma_start3A_219 = tpu.memref_slice %arg3[%add3A_218] : memref<2097152xi32, #tpu.memory_space<hbm>> -> memref<4096xi32, #tpu.memory_space<hbm>>
    %dma_start3A_220 = tpu.memref_slice %arg3[%add3A_218] : memref<2097152xi32, #tpu.memory_space<hbm>> -> memref<4096xi32, #tpu.memory_space<hbm>>
    tpu.enqueue_dma source(%dma_start3A_220 : memref<4096xi32, #tpu.memory_space<hbm>>) target(%arg6 : memref<4096xi32, #tpu.memory_space<vmem>>) target_semaphore(%arg10 : memref<!tpu.dma_semaphore, #tpu.memory_space<semaphore_mem>>)
    %dma_wait3A_221 = tpu.memref_slice %arg3[%add3A_196] : memref<2097152xi32, #tpu.memory_space<hbm>> -> memref<4096xi32, #tpu.memory_space<hbm>>
    %dma_wait3A_222 = tpu.memref_slice %arg3[%add3A_196] : memref<2097152xi32, #tpu.memory_space<hbm>> -> memref<4096xi32, #tpu.memory_space<hbm>>
    tpu.wait_dma2 semaphore(%arg9 : memref<!tpu.dma_semaphore, #tpu.memory_space<semaphore_mem>>) src(%dma_wait3A_222 : memref<4096xi32, #tpu.memory_space<hbm>>) dst(%arg5 : memref<4096xi32, #tpu.memory_space<vmem>>)
    %dma_wait3A_223 = arith.constant 0 : i32
    %dma_wait3A_224 = tpu.memref_slice %arg4[%add3A_190, %dma_wait3A_223] : memref<2097152x8xf32, #tpu.memory_space<hbm>> -> memref<4096x8xf32, #tpu.memory_space<hbm>>
    %dma_wait3A_225 = arith.constant 0 : i32
    %dma_wait3A_226 = tpu.memref_slice %arg4[%add3A_190, %dma_wait3A_225] : memref<2097152x8xf32, #tpu.memory_space<hbm>> -> memref<4096x8xf32, #tpu.memory_space<hbm>>
    tpu.wait_dma2 semaphore(%arg13 : memref<!tpu.dma_semaphore, #tpu.memory_space<semaphore_mem>>) src(%arg7 : memref<4096x8xf32, #tpu.memory_space<vmem>>) dst(%dma_wait3A_226 : memref<4096x8xf32, #tpu.memory_space<hbm>>)
    %dma_start3A_227 = arith.constant 0 : i32
    %dma_start3A_228 = arith.constant 0 : i32
    %dma_start3A_229 = tpu.memref_slice %arg2[%dma_start3A_227, %dma_start3A_228] : memref<65536x8xf32, #tpu.memory_space<hbm>> -> memref<65536x8xf32, #tpu.memory_space<hbm>>
    tpu.enqueue_indirect_dma source(%dma_start3A_229 : memref<65536x8xf32, #tpu.memory_space<hbm>>) target(%arg7 : memref<4096x8xf32, #tpu.memory_space<vmem>>) offsets(%arg5 : memref<4096xi32, #tpu.memory_space<vmem>>) semaphore(%arg11 : memref<!tpu.dma_semaphore, #tpu.memory_space<semaphore_mem>>)
    %dma_wait3A_230 = arith.constant 0 : i32
    %dma_wait3A_231 = arith.constant 0 : i32
    %dma_wait3A_232 = tpu.memref_slice %arg2[%dma_wait3A_230, %dma_wait3A_231] : memref<65536x8xf32, #tpu.memory_space<hbm>> -> memref<65536x8xf32, #tpu.memory_space<hbm>>
    tpu.wait_indirect_dma semaphore(%arg11 : memref<!tpu.dma_semaphore, #tpu.memory_space<semaphore_mem>>) src(%dma_wait3A_232 : memref<65536x8xf32, #tpu.memory_space<hbm>>) dst(%arg7 : memref<4096x8xf32, #tpu.memory_space<vmem>>)
    %add3A_233 = arith.constant 40960 : i32
    %add3A_234 = arith.addi %mul3A_2, %add3A_233 : i32
    %dma_start3A_235 = arith.constant 0 : i32
    %dma_start3A_236 = tpu.memref_slice %arg4[%add3A_234, %dma_start3A_235] : memref<2097152x8xf32, #tpu.memory_space<hbm>> -> memref<4096x8xf32, #tpu.memory_space<hbm>>
    %dma_start3A_237 = arith.constant 0 : i32
    %dma_start3A_238 = tpu.memref_slice %arg4[%add3A_234, %dma_start3A_237] : memref<2097152x8xf32, #tpu.memory_space<hbm>> -> memref<4096x8xf32, #tpu.memory_space<hbm>>
    tpu.enqueue_dma source(%arg7 : memref<4096x8xf32, #tpu.memory_space<vmem>>) target(%dma_start3A_238 : memref<4096x8xf32, #tpu.memory_space<hbm>>) target_semaphore(%arg13 : memref<!tpu.dma_semaphore, #tpu.memory_space<semaphore_mem>>)
    %add3A_239 = arith.constant 49152 : i32
    %add3A_240 = arith.addi %mul3A_2, %add3A_239 : i32
    %dma_start3A_241 = tpu.memref_slice %arg3[%add3A_240] : memref<2097152xi32, #tpu.memory_space<hbm>> -> memref<4096xi32, #tpu.memory_space<hbm>>
    %dma_start3A_242 = tpu.memref_slice %arg3[%add3A_240] : memref<2097152xi32, #tpu.memory_space<hbm>> -> memref<4096xi32, #tpu.memory_space<hbm>>
    tpu.enqueue_dma source(%dma_start3A_242 : memref<4096xi32, #tpu.memory_space<hbm>>) target(%arg5 : memref<4096xi32, #tpu.memory_space<vmem>>) target_semaphore(%arg9 : memref<!tpu.dma_semaphore, #tpu.memory_space<semaphore_mem>>)
    %dma_wait3A_243 = tpu.memref_slice %arg3[%add3A_218] : memref<2097152xi32, #tpu.memory_space<hbm>> -> memref<4096xi32, #tpu.memory_space<hbm>>
    %dma_wait3A_244 = tpu.memref_slice %arg3[%add3A_218] : memref<2097152xi32, #tpu.memory_space<hbm>> -> memref<4096xi32, #tpu.memory_space<hbm>>
    tpu.wait_dma2 semaphore(%arg10 : memref<!tpu.dma_semaphore, #tpu.memory_space<semaphore_mem>>) src(%dma_wait3A_244 : memref<4096xi32, #tpu.memory_space<hbm>>) dst(%arg6 : memref<4096xi32, #tpu.memory_space<vmem>>)
    %dma_wait3A_245 = arith.constant 0 : i32
    %dma_wait3A_246 = tpu.memref_slice %arg4[%add3A_212, %dma_wait3A_245] : memref<2097152x8xf32, #tpu.memory_space<hbm>> -> memref<4096x8xf32, #tpu.memory_space<hbm>>
    %dma_wait3A_247 = arith.constant 0 : i32
    %dma_wait3A_248 = tpu.memref_slice %arg4[%add3A_212, %dma_wait3A_247] : memref<2097152x8xf32, #tpu.memory_space<hbm>> -> memref<4096x8xf32, #tpu.memory_space<hbm>>
    tpu.wait_dma2 semaphore(%arg14 : memref<!tpu.dma_semaphore, #tpu.memory_space<semaphore_mem>>) src(%arg8 : memref<4096x8xf32, #tpu.memory_space<vmem>>) dst(%dma_wait3A_248 : memref<4096x8xf32, #tpu.memory_space<hbm>>)
    %dma_start3A_249 = arith.constant 0 : i32
    %dma_start3A_250 = arith.constant 0 : i32
    %dma_start3A_251 = tpu.memref_slice %arg2[%dma_start3A_249, %dma_start3A_250] : memref<65536x8xf32, #tpu.memory_space<hbm>> -> memref<65536x8xf32, #tpu.memory_space<hbm>>
    tpu.enqueue_indirect_dma source(%dma_start3A_251 : memref<65536x8xf32, #tpu.memory_space<hbm>>) target(%arg8 : memref<4096x8xf32, #tpu.memory_space<vmem>>) offsets(%arg6 : memref<4096xi32, #tpu.memory_space<vmem>>) semaphore(%arg12 : memref<!tpu.dma_semaphore, #tpu.memory_space<semaphore_mem>>)
    %dma_wait3A_252 = arith.constant 0 : i32
    %dma_wait3A_253 = arith.constant 0 : i32
    %dma_wait3A_254 = tpu.memref_slice %arg2[%dma_wait3A_252, %dma_wait3A_253] : memref<65536x8xf32, #tpu.memory_space<hbm>> -> memref<65536x8xf32, #tpu.memory_space<hbm>>
    tpu.wait_indirect_dma semaphore(%arg12 : memref<!tpu.dma_semaphore, #tpu.memory_space<semaphore_mem>>) src(%dma_wait3A_254 : memref<65536x8xf32, #tpu.memory_space<hbm>>) dst(%arg8 : memref<4096x8xf32, #tpu.memory_space<vmem>>)
    %add3A_255 = arith.constant 45056 : i32
    %add3A_256 = arith.addi %mul3A_2, %add3A_255 : i32
    %dma_start3A_257 = arith.constant 0 : i32
    %dma_start3A_258 = tpu.memref_slice %arg4[%add3A_256, %dma_start3A_257] : memref<2097152x8xf32, #tpu.memory_space<hbm>> -> memref<4096x8xf32, #tpu.memory_space<hbm>>
    %dma_start3A_259 = arith.constant 0 : i32
    %dma_start3A_260 = tpu.memref_slice %arg4[%add3A_256, %dma_start3A_259] : memref<2097152x8xf32, #tpu.memory_space<hbm>> -> memref<4096x8xf32, #tpu.memory_space<hbm>>
    tpu.enqueue_dma source(%arg8 : memref<4096x8xf32, #tpu.memory_space<vmem>>) target(%dma_start3A_260 : memref<4096x8xf32, #tpu.memory_space<hbm>>) target_semaphore(%arg14 : memref<!tpu.dma_semaphore, #tpu.memory_space<semaphore_mem>>)
    %add3A_261 = arith.constant 53248 : i32
    %add3A_262 = arith.addi %mul3A_2, %add3A_261 : i32
    %dma_start3A_263 = tpu.memref_slice %arg3[%add3A_262] : memref<2097152xi32, #tpu.memory_space<hbm>> -> memref<4096xi32, #tpu.memory_space<hbm>>
    %dma_start3A_264 = tpu.memref_slice %arg3[%add3A_262] : memref<2097152xi32, #tpu.memory_space<hbm>> -> memref<4096xi32, #tpu.memory_space<hbm>>
    tpu.enqueue_dma source(%dma_start3A_264 : memref<4096xi32, #tpu.memory_space<hbm>>) target(%arg6 : memref<4096xi32, #tpu.memory_space<vmem>>) target_semaphore(%arg10 : memref<!tpu.dma_semaphore, #tpu.memory_space<semaphore_mem>>)
    %dma_wait3A_265 = tpu.memref_slice %arg3[%add3A_240] : memref<2097152xi32, #tpu.memory_space<hbm>> -> memref<4096xi32, #tpu.memory_space<hbm>>
    %dma_wait3A_266 = tpu.memref_slice %arg3[%add3A_240] : memref<2097152xi32, #tpu.memory_space<hbm>> -> memref<4096xi32, #tpu.memory_space<hbm>>
    tpu.wait_dma2 semaphore(%arg9 : memref<!tpu.dma_semaphore, #tpu.memory_space<semaphore_mem>>) src(%dma_wait3A_266 : memref<4096xi32, #tpu.memory_space<hbm>>) dst(%arg5 : memref<4096xi32, #tpu.memory_space<vmem>>)
    %dma_wait3A_267 = arith.constant 0 : i32
    %dma_wait3A_268 = tpu.memref_slice %arg4[%add3A_234, %dma_wait3A_267] : memref<2097152x8xf32, #tpu.memory_space<hbm>> -> memref<4096x8xf32, #tpu.memory_space<hbm>>
    %dma_wait3A_269 = arith.constant 0 : i32
    %dma_wait3A_270 = tpu.memref_slice %arg4[%add3A_234, %dma_wait3A_269] : memref<2097152x8xf32, #tpu.memory_space<hbm>> -> memref<4096x8xf32, #tpu.memory_space<hbm>>
    tpu.wait_dma2 semaphore(%arg13 : memref<!tpu.dma_semaphore, #tpu.memory_space<semaphore_mem>>) src(%arg7 : memref<4096x8xf32, #tpu.memory_space<vmem>>) dst(%dma_wait3A_270 : memref<4096x8xf32, #tpu.memory_space<hbm>>)
    %dma_start3A_271 = arith.constant 0 : i32
    %dma_start3A_272 = arith.constant 0 : i32
    %dma_start3A_273 = tpu.memref_slice %arg2[%dma_start3A_271, %dma_start3A_272] : memref<65536x8xf32, #tpu.memory_space<hbm>> -> memref<65536x8xf32, #tpu.memory_space<hbm>>
    tpu.enqueue_indirect_dma source(%dma_start3A_273 : memref<65536x8xf32, #tpu.memory_space<hbm>>) target(%arg7 : memref<4096x8xf32, #tpu.memory_space<vmem>>) offsets(%arg5 : memref<4096xi32, #tpu.memory_space<vmem>>) semaphore(%arg11 : memref<!tpu.dma_semaphore, #tpu.memory_space<semaphore_mem>>)
    %dma_wait3A_274 = arith.constant 0 : i32
    %dma_wait3A_275 = arith.constant 0 : i32
    %dma_wait3A_276 = tpu.memref_slice %arg2[%dma_wait3A_274, %dma_wait3A_275] : memref<65536x8xf32, #tpu.memory_space<hbm>> -> memref<65536x8xf32, #tpu.memory_space<hbm>>
    tpu.wait_indirect_dma semaphore(%arg11 : memref<!tpu.dma_semaphore, #tpu.memory_space<semaphore_mem>>) src(%dma_wait3A_276 : memref<65536x8xf32, #tpu.memory_space<hbm>>) dst(%arg7 : memref<4096x8xf32, #tpu.memory_space<vmem>>)
    %add3A_277 = arith.constant 49152 : i32
    %add3A_278 = arith.addi %mul3A_2, %add3A_277 : i32
    %dma_start3A_279 = arith.constant 0 : i32
    %dma_start3A_280 = tpu.memref_slice %arg4[%add3A_278, %dma_start3A_279] : memref<2097152x8xf32, #tpu.memory_space<hbm>> -> memref<4096x8xf32, #tpu.memory_space<hbm>>
    %dma_start3A_281 = arith.constant 0 : i32
    %dma_start3A_282 = tpu.memref_slice %arg4[%add3A_278, %dma_start3A_281] : memref<2097152x8xf32, #tpu.memory_space<hbm>> -> memref<4096x8xf32, #tpu.memory_space<hbm>>
    tpu.enqueue_dma source(%arg7 : memref<4096x8xf32, #tpu.memory_space<vmem>>) target(%dma_start3A_282 : memref<4096x8xf32, #tpu.memory_space<hbm>>) target_semaphore(%arg13 : memref<!tpu.dma_semaphore, #tpu.memory_space<semaphore_mem>>)
    %add3A_283 = arith.constant 57344 : i32
    %add3A_284 = arith.addi %mul3A_2, %add3A_283 : i32
    %dma_start3A_285 = tpu.memref_slice %arg3[%add3A_284] : memref<2097152xi32, #tpu.memory_space<hbm>> -> memref<4096xi32, #tpu.memory_space<hbm>>
    %dma_start3A_286 = tpu.memref_slice %arg3[%add3A_284] : memref<2097152xi32, #tpu.memory_space<hbm>> -> memref<4096xi32, #tpu.memory_space<hbm>>
    tpu.enqueue_dma source(%dma_start3A_286 : memref<4096xi32, #tpu.memory_space<hbm>>) target(%arg5 : memref<4096xi32, #tpu.memory_space<vmem>>) target_semaphore(%arg9 : memref<!tpu.dma_semaphore, #tpu.memory_space<semaphore_mem>>)
    %dma_wait3A_287 = tpu.memref_slice %arg3[%add3A_262] : memref<2097152xi32, #tpu.memory_space<hbm>> -> memref<4096xi32, #tpu.memory_space<hbm>>
    %dma_wait3A_288 = tpu.memref_slice %arg3[%add3A_262] : memref<2097152xi32, #tpu.memory_space<hbm>> -> memref<4096xi32, #tpu.memory_space<hbm>>
    tpu.wait_dma2 semaphore(%arg10 : memref<!tpu.dma_semaphore, #tpu.memory_space<semaphore_mem>>) src(%dma_wait3A_288 : memref<4096xi32, #tpu.memory_space<hbm>>) dst(%arg6 : memref<4096xi32, #tpu.memory_space<vmem>>)
    %dma_wait3A_289 = arith.constant 0 : i32
    %dma_wait3A_290 = tpu.memref_slice %arg4[%add3A_256, %dma_wait3A_289] : memref<2097152x8xf32, #tpu.memory_space<hbm>> -> memref<4096x8xf32, #tpu.memory_space<hbm>>
    %dma_wait3A_291 = arith.constant 0 : i32
    %dma_wait3A_292 = tpu.memref_slice %arg4[%add3A_256, %dma_wait3A_291] : memref<2097152x8xf32, #tpu.memory_space<hbm>> -> memref<4096x8xf32, #tpu.memory_space<hbm>>
    tpu.wait_dma2 semaphore(%arg14 : memref<!tpu.dma_semaphore, #tpu.memory_space<semaphore_mem>>) src(%arg8 : memref<4096x8xf32, #tpu.memory_space<vmem>>) dst(%dma_wait3A_292 : memref<4096x8xf32, #tpu.memory_space<hbm>>)
    %dma_start3A_293 = arith.constant 0 : i32
    %dma_start3A_294 = arith.constant 0 : i32
    %dma_start3A_295 = tpu.memref_slice %arg2[%dma_start3A_293, %dma_start3A_294] : memref<65536x8xf32, #tpu.memory_space<hbm>> -> memref<65536x8xf32, #tpu.memory_space<hbm>>
    tpu.enqueue_indirect_dma source(%dma_start3A_295 : memref<65536x8xf32, #tpu.memory_space<hbm>>) target(%arg8 : memref<4096x8xf32, #tpu.memory_space<vmem>>) offsets(%arg6 : memref<4096xi32, #tpu.memory_space<vmem>>) semaphore(%arg12 : memref<!tpu.dma_semaphore, #tpu.memory_space<semaphore_mem>>)
    %dma_wait3A_296 = arith.constant 0 : i32
    %dma_wait3A_297 = arith.constant 0 : i32
    %dma_wait3A_298 = tpu.memref_slice %arg2[%dma_wait3A_296, %dma_wait3A_297] : memref<65536x8xf32, #tpu.memory_space<hbm>> -> memref<65536x8xf32, #tpu.memory_space<hbm>>
    tpu.wait_indirect_dma semaphore(%arg12 : memref<!tpu.dma_semaphore, #tpu.memory_space<semaphore_mem>>) src(%dma_wait3A_298 : memref<65536x8xf32, #tpu.memory_space<hbm>>) dst(%arg8 : memref<4096x8xf32, #tpu.memory_space<vmem>>)
    %add3A_299 = arith.constant 53248 : i32
    %add3A_300 = arith.addi %mul3A_2, %add3A_299 : i32
    %dma_start3A_301 = arith.constant 0 : i32
    %dma_start3A_302 = tpu.memref_slice %arg4[%add3A_300, %dma_start3A_301] : memref<2097152x8xf32, #tpu.memory_space<hbm>> -> memref<4096x8xf32, #tpu.memory_space<hbm>>
    %dma_start3A_303 = arith.constant 0 : i32
    %dma_start3A_304 = tpu.memref_slice %arg4[%add3A_300, %dma_start3A_303] : memref<2097152x8xf32, #tpu.memory_space<hbm>> -> memref<4096x8xf32, #tpu.memory_space<hbm>>
    tpu.enqueue_dma source(%arg8 : memref<4096x8xf32, #tpu.memory_space<vmem>>) target(%dma_start3A_304 : memref<4096x8xf32, #tpu.memory_space<hbm>>) target_semaphore(%arg14 : memref<!tpu.dma_semaphore, #tpu.memory_space<semaphore_mem>>)
    %add3A_305 = arith.constant 61440 : i32
    %add3A_306 = arith.addi %mul3A_2, %add3A_305 : i32
    %dma_start3A_307 = tpu.memref_slice %arg3[%add3A_306] : memref<2097152xi32, #tpu.memory_space<hbm>> -> memref<4096xi32, #tpu.memory_space<hbm>>
    %dma_start3A_308 = tpu.memref_slice %arg3[%add3A_306] : memref<2097152xi32, #tpu.memory_space<hbm>> -> memref<4096xi32, #tpu.memory_space<hbm>>
    tpu.enqueue_dma source(%dma_start3A_308 : memref<4096xi32, #tpu.memory_space<hbm>>) target(%arg6 : memref<4096xi32, #tpu.memory_space<vmem>>) target_semaphore(%arg10 : memref<!tpu.dma_semaphore, #tpu.memory_space<semaphore_mem>>)
    %dma_wait3A_309 = tpu.memref_slice %arg3[%add3A_284] : memref<2097152xi32, #tpu.memory_space<hbm>> -> memref<4096xi32, #tpu.memory_space<hbm>>
    %dma_wait3A_310 = tpu.memref_slice %arg3[%add3A_284] : memref<2097152xi32, #tpu.memory_space<hbm>> -> memref<4096xi32, #tpu.memory_space<hbm>>
    tpu.wait_dma2 semaphore(%arg9 : memref<!tpu.dma_semaphore, #tpu.memory_space<semaphore_mem>>) src(%dma_wait3A_310 : memref<4096xi32, #tpu.memory_space<hbm>>) dst(%arg5 : memref<4096xi32, #tpu.memory_space<vmem>>)
    %dma_wait3A_311 = arith.constant 0 : i32
    %dma_wait3A_312 = tpu.memref_slice %arg4[%add3A_278, %dma_wait3A_311] : memref<2097152x8xf32, #tpu.memory_space<hbm>> -> memref<4096x8xf32, #tpu.memory_space<hbm>>
    %dma_wait3A_313 = arith.constant 0 : i32
    %dma_wait3A_314 = tpu.memref_slice %arg4[%add3A_278, %dma_wait3A_313] : memref<2097152x8xf32, #tpu.memory_space<hbm>> -> memref<4096x8xf32, #tpu.memory_space<hbm>>
    tpu.wait_dma2 semaphore(%arg13 : memref<!tpu.dma_semaphore, #tpu.memory_space<semaphore_mem>>) src(%arg7 : memref<4096x8xf32, #tpu.memory_space<vmem>>) dst(%dma_wait3A_314 : memref<4096x8xf32, #tpu.memory_space<hbm>>)
    %dma_start3A_315 = arith.constant 0 : i32
    %dma_start3A_316 = arith.constant 0 : i32
    %dma_start3A_317 = tpu.memref_slice %arg2[%dma_start3A_315, %dma_start3A_316] : memref<65536x8xf32, #tpu.memory_space<hbm>> -> memref<65536x8xf32, #tpu.memory_space<hbm>>
    tpu.enqueue_indirect_dma source(%dma_start3A_317 : memref<65536x8xf32, #tpu.memory_space<hbm>>) target(%arg7 : memref<4096x8xf32, #tpu.memory_space<vmem>>) offsets(%arg5 : memref<4096xi32, #tpu.memory_space<vmem>>) semaphore(%arg11 : memref<!tpu.dma_semaphore, #tpu.memory_space<semaphore_mem>>)
    %dma_wait3A_318 = arith.constant 0 : i32
    %dma_wait3A_319 = arith.constant 0 : i32
    %dma_wait3A_320 = tpu.memref_slice %arg2[%dma_wait3A_318, %dma_wait3A_319] : memref<65536x8xf32, #tpu.memory_space<hbm>> -> memref<65536x8xf32, #tpu.memory_space<hbm>>
    tpu.wait_indirect_dma semaphore(%arg11 : memref<!tpu.dma_semaphore, #tpu.memory_space<semaphore_mem>>) src(%dma_wait3A_320 : memref<65536x8xf32, #tpu.memory_space<hbm>>) dst(%arg7 : memref<4096x8xf32, #tpu.memory_space<vmem>>)
    %add3A_321 = arith.constant 57344 : i32
    %add3A_322 = arith.addi %mul3A_2, %add3A_321 : i32
    %dma_start3A_323 = arith.constant 0 : i32
    %dma_start3A_324 = tpu.memref_slice %arg4[%add3A_322, %dma_start3A_323] : memref<2097152x8xf32, #tpu.memory_space<hbm>> -> memref<4096x8xf32, #tpu.memory_space<hbm>>
    %dma_start3A_325 = arith.constant 0 : i32
    %dma_start3A_326 = tpu.memref_slice %arg4[%add3A_322, %dma_start3A_325] : memref<2097152x8xf32, #tpu.memory_space<hbm>> -> memref<4096x8xf32, #tpu.memory_space<hbm>>
    tpu.enqueue_dma source(%arg7 : memref<4096x8xf32, #tpu.memory_space<vmem>>) target(%dma_start3A_326 : memref<4096x8xf32, #tpu.memory_space<hbm>>) target_semaphore(%arg13 : memref<!tpu.dma_semaphore, #tpu.memory_space<semaphore_mem>>)
    %dma_wait3A_327 = tpu.memref_slice %arg3[%add3A_306] : memref<2097152xi32, #tpu.memory_space<hbm>> -> memref<4096xi32, #tpu.memory_space<hbm>>
    %dma_wait3A_328 = tpu.memref_slice %arg3[%add3A_306] : memref<2097152xi32, #tpu.memory_space<hbm>> -> memref<4096xi32, #tpu.memory_space<hbm>>
    tpu.wait_dma2 semaphore(%arg10 : memref<!tpu.dma_semaphore, #tpu.memory_space<semaphore_mem>>) src(%dma_wait3A_328 : memref<4096xi32, #tpu.memory_space<hbm>>) dst(%arg6 : memref<4096xi32, #tpu.memory_space<vmem>>)
    %dma_wait3A_329 = arith.constant 0 : i32
    %dma_wait3A_330 = tpu.memref_slice %arg4[%add3A_300, %dma_wait3A_329] : memref<2097152x8xf32, #tpu.memory_space<hbm>> -> memref<4096x8xf32, #tpu.memory_space<hbm>>
    %dma_wait3A_331 = arith.constant 0 : i32
    %dma_wait3A_332 = tpu.memref_slice %arg4[%add3A_300, %dma_wait3A_331] : memref<2097152x8xf32, #tpu.memory_space<hbm>> -> memref<4096x8xf32, #tpu.memory_space<hbm>>
    tpu.wait_dma2 semaphore(%arg14 : memref<!tpu.dma_semaphore, #tpu.memory_space<semaphore_mem>>) src(%arg8 : memref<4096x8xf32, #tpu.memory_space<vmem>>) dst(%dma_wait3A_332 : memref<4096x8xf32, #tpu.memory_space<hbm>>)
    %dma_start3A_333 = arith.constant 0 : i32
    %dma_start3A_334 = arith.constant 0 : i32
    %dma_start3A_335 = tpu.memref_slice %arg2[%dma_start3A_333, %dma_start3A_334] : memref<65536x8xf32, #tpu.memory_space<hbm>> -> memref<65536x8xf32, #tpu.memory_space<hbm>>
    tpu.enqueue_indirect_dma source(%dma_start3A_335 : memref<65536x8xf32, #tpu.memory_space<hbm>>) target(%arg8 : memref<4096x8xf32, #tpu.memory_space<vmem>>) offsets(%arg6 : memref<4096xi32, #tpu.memory_space<vmem>>) semaphore(%arg12 : memref<!tpu.dma_semaphore, #tpu.memory_space<semaphore_mem>>)
    %dma_wait3A_336 = arith.constant 0 : i32
    %dma_wait3A_337 = arith.constant 0 : i32
    %dma_wait3A_338 = tpu.memref_slice %arg2[%dma_wait3A_336, %dma_wait3A_337] : memref<65536x8xf32, #tpu.memory_space<hbm>> -> memref<65536x8xf32, #tpu.memory_space<hbm>>
    tpu.wait_indirect_dma semaphore(%arg12 : memref<!tpu.dma_semaphore, #tpu.memory_space<semaphore_mem>>) src(%dma_wait3A_338 : memref<65536x8xf32, #tpu.memory_space<hbm>>) dst(%arg8 : memref<4096x8xf32, #tpu.memory_space<vmem>>)
    %add3A_339 = arith.constant 61440 : i32
    %add3A_340 = arith.addi %mul3A_2, %add3A_339 : i32
    %dma_start3A_341 = arith.constant 0 : i32
    %dma_start3A_342 = tpu.memref_slice %arg4[%add3A_340, %dma_start3A_341] : memref<2097152x8xf32, #tpu.memory_space<hbm>> -> memref<4096x8xf32, #tpu.memory_space<hbm>>
    %dma_start3A_343 = arith.constant 0 : i32
    %dma_start3A_344 = tpu.memref_slice %arg4[%add3A_340, %dma_start3A_343] : memref<2097152x8xf32, #tpu.memory_space<hbm>> -> memref<4096x8xf32, #tpu.memory_space<hbm>>
    tpu.enqueue_dma source(%arg8 : memref<4096x8xf32, #tpu.memory_space<vmem>>) target(%dma_start3A_344 : memref<4096x8xf32, #tpu.memory_space<hbm>>) target_semaphore(%arg14 : memref<!tpu.dma_semaphore, #tpu.memory_space<semaphore_mem>>)
    %dma_wait3A_345 = arith.constant 0 : i32
    %dma_wait3A_346 = tpu.memref_slice %arg4[%add3A_322, %dma_wait3A_345] : memref<2097152x8xf32, #tpu.memory_space<hbm>> -> memref<4096x8xf32, #tpu.memory_space<hbm>>
    %dma_wait3A_347 = arith.constant 0 : i32
    %dma_wait3A_348 = tpu.memref_slice %arg4[%add3A_322, %dma_wait3A_347] : memref<2097152x8xf32, #tpu.memory_space<hbm>> -> memref<4096x8xf32, #tpu.memory_space<hbm>>
    tpu.wait_dma2 semaphore(%arg13 : memref<!tpu.dma_semaphore, #tpu.memory_space<semaphore_mem>>) src(%arg7 : memref<4096x8xf32, #tpu.memory_space<vmem>>) dst(%dma_wait3A_348 : memref<4096x8xf32, #tpu.memory_space<hbm>>)
    %dma_wait3A_349 = arith.constant 0 : i32
    %dma_wait3A_350 = tpu.memref_slice %arg4[%add3A_340, %dma_wait3A_349] : memref<2097152x8xf32, #tpu.memory_space<hbm>> -> memref<4096x8xf32, #tpu.memory_space<hbm>>
    %dma_wait3A_351 = arith.constant 0 : i32
    %dma_wait3A_352 = tpu.memref_slice %arg4[%add3A_340, %dma_wait3A_351] : memref<2097152x8xf32, #tpu.memory_space<hbm>> -> memref<4096x8xf32, #tpu.memory_space<hbm>>
    tpu.wait_dma2 semaphore(%arg14 : memref<!tpu.dma_semaphore, #tpu.memory_space<semaphore_mem>>) src(%arg8 : memref<4096x8xf32, #tpu.memory_space<vmem>>) dst(%dma_wait3A_352 : memref<4096x8xf32, #tpu.memory_space<hbm>>)
    return
  }
}

module attributes {stable_mosaic.version = 14 : i64} {
  func.func @_scale_body(%arg0: memref<1xf32, #tpu.memory_space<smem>>, %arg1: memref<4096x128xf32, #tpu.memory_space<vmem>>, %arg2: memref<4096x128xf32, #tpu.memory_space<vmem>>) attributes {dimension_semantics = [], scalar_prefetch = 0 : i64, scratch_operands = 0 : i64, tpu.core_type = #tpu.core_type<tc>} {
    %get3A = arith.constant 0 : index
    %get3A_0 = arith.constant 0 : index
    %get3A_1 = vector.load %arg1[%get3A, %get3A_0] : memref<4096x128xf32, #tpu.memory_space<vmem>>, vector<4096x128xf32>
    %get3A_2 = arith.constant 0 : index
    %get3A_3 = memref.load %arg0[%get3A_2] : memref<1xf32, #tpu.memory_space<smem>>
    %mul3A = vector.broadcast %get3A_3 : f32 to vector<4096x128xf32>
    %mul3A_4 = arith.mulf %get3A_1, %mul3A : vector<4096x128xf32>
    %swap3A = arith.constant 0 : index
    %swap3A_5 = arith.constant 0 : index
    %swap3A_6 = vector.load %arg2[%swap3A, %swap3A_5] : memref<4096x128xf32, #tpu.memory_space<vmem>>, vector<4096x128xf32>
    tpu.vector_store %arg2[%swap3A, %swap3A_5], %mul3A_4 {strides = array<i32>} : memref<4096x128xf32, #tpu.memory_space<vmem>>, vector<4096x128xf32>,
    return
  }
}

</mosaic_0001>

<sc_bundles>
// kernel: kernel.4.cloned.1.call-start
scs
__scs_entry_jumppad:
0x0: {  	(pc) =	sbr.rel $0x88, $3  }
0x1: {  	(tag) =	ssettag $0x0;
	lr =	simm.s32 $0x1  }
0x2: {  	[smem:$0x3F9E] =	sst lr;
	_ =	strace $0xD0000000  }
0x3: {  	_ = 	snop  }
0x4: {  	_ = 	snop  }
0x5: {  	_ = 	snop  }
0x6: {  	_ = 	snop  }
0x7: {  	_ = 	snop  }
__scs_overlays_trampoline_lowered:
0x8: {  	[smem:$0x3FAD] =	sst s0  }
0x9: {  	[smem:$0x3FAE] =	sst s1  }
0xa: {  	[smem:$0x3FAF] =	sst s2  }
0xb: {  	[smem:$0x3FB0] =	sst s3  }
0xc: {  	[smem:$0x3FB1] =	sst s4  }
0xd: {  	[smem:$0x3FB2] =	sst s5  }
0xe: {  	[smem:$0x3FB3] =	sst s6  }
0xf: {  	[smem:$0x3FB4] =	sst s7  }
0x10: {  	[smem:$0x3FB5] =	sst s8  }
0x11: {  	[smem:$0x3FB6] =	sst s9;
	s0 =	simm.s32 @!p0 $0x0  }
0x12: {  	s1 =	sld [smem:$0x3F9C];
	s0 =	simm.s32 @p0 $0x1  }
0x13: {  	[smem:$0x3FB7] =	sst s0;
	s0 =	simm.s32 @!p1 $0x0  }
0x14: {  	s2 =	sld [smem:$0x3F9B];
	s0 =	simm.s32 @p1 $0x1  }
0x15: {  	[smem:$0x3FB8] =	sst s0;
	s0 =	simm.s32 @!p2 $0x0  }
0x16: {  	s3 =	sld [smem:$0x3FDB];
	s0 =	simm.s32 @p2 $0x1  }
0x17: {  	s4 =	simm.s32 $0x1BF5;
	[smem:$0x3FBA] =	sst s0  }
0x18: {  	s0 =	sld [smem:$0x3F9D];
	_ =	swait.ge [sflag:s4], $0x0  }
0x19: {  	s7 =	sld [smem:$0x3F9E]  }
0x1a: {  	s8 =	sadd.s32 $0xFFFFE003, lr  }
0x1b: {  	s9 =	sadd.s32 $0xFFFFFEF7, lr;
	s5 =	simm.s32 $0xFFFFFFFF;
	p2 =	slt.u32 s8, $0xFFFFF086  }
0x1c: {  	p1 =	slt.u32 s9, $0xF7A;
	s5 =	simm.s32 @!p2 $0x0  }
0x1d: {  	s5 =	simm.s32 @p1 $0x1;
	p0 =	seq.s32 s7, s2  }
0x1e: {  	s7 =	smul.u32 @!p0 $0xF7A, s2;
	p2 =	seq.s32 @!p0 s5, $0x0  }
0x1f: {  	s9 =	smul.u32 $0xF7A, s1;
	s8 =	simm.s32 @!p0 $0x1BF5;
	p2 =	por !p2, p0  }
0x20: {  	[sflag:s8] =	ssyncset.s32 @!p0 $0xFFFFF086;
	s6 =	sadd.s32 @!p0 s3, s7;
	s7 =	simm.s32 @!p0 $0x108  }
0x21: {  	s3 =	sadd.s32 s3, s9;
	s6 =	sadd.s32 @!p0 $0x88, s6;
	s7 =	simm.s32 @p2 $0x1082  }
0x22: {  	[simem:s7], [sflag:s8] =	dma.local @!p0 [hbm:s6], $0xF7A  }
0x23: {  	s9 =	sor.u32 $0xD0000000, s2;
	s6 =	simm.s32 $0x108;
	_ =	swait.ge @!p0 [sflag:s8], $0x0  }
0x24: {  	s3 =	sadd.s32 $0x88, s3;
	s6 =	simm.s32 @!p1 $0x1082;
	[sflag:s4] =	ssyncset.s32 $0xFFFFF086  }
0x25: {  	[simem:s6], [sflag:s4] =	dma.local [hbm:s3], $0xF7A  }
0x26: {  	[smem:$0x3F9E] =	sst s1;
	(tag) =	ssettag s2;
	_ =	strace s9  }
0x27: {  	s1 =	sld [smem:$0x3FAE]  }
0x28: {  	s2 =	sld [smem:$0x3FAF]  }
0x29: {  	s4 =	sld [smem:$0x3FB1]  }
0x2a: {  	p0 =	seq.s32 s5, $0x0;
	s5 =	sld [smem:$0x3FB2]  }
0x2b: {  	s6 =	sld [smem:$0x3FB3]  }
0x2c: {  	s7 =	sld [smem:$0x3FB4]  }
0x2d: {  	s3 =	simm.s32 $0x108;
	s8 =	sld [smem:$0x3FB5]  }
0x2e: {  	s3 =	simm.s32 @!p0 $0x1082;
	s9 =	sld [smem:$0x3FB6]  }
0x2f: {  	lr =	sadd.s32 s0, s3;
	s0 =	sld [smem:$0x3FAD]  }
0x30: {  	s3 =	sld [smem:$0x3FB0]  }
0x31: {  	[smem:$0x3FB9] =	sst s10  }
0x32: {  	s10 =	sld [smem:$0x3FB7];
	_ =	sdelay $0x3  }
0x33: {  	p0 =	seq.s32 s10, $0x1;
	s10 =	sld [smem:$0x3FB9];
	_ =	sdelay $0x3  }
0x34: {  	[smem:$0x3FB9] =	sst s10  }
0x35: {  	s10 =	sld [smem:$0x3FB8];
	_ =	sdelay $0x3  }
0x36: {  	p1 =	seq.s32 s10, $0x1;
	s10 =	sld [smem:$0x3FB9];
	_ =	sdelay $0x3  }
0x37: {  	[smem:$0x3FB9] =	sst s10  }
0x38: {  	s10 =	sld [smem:$0x3FBA]  }
0x39: {  	_ = 	snop;
	(pc) =	sbr.ind lr, $3  }
0x3a: {  	_ = 	snop  }
0x3b: {  	_ = 	snop  }
0x3c: {  	p2 =	seq.s32 s10, $0x1;
	s10 =	sld [smem:$0x3FB9]  }
0x3d: {  	_ =	shalt  }
0x3e: {  	_ =	shalt  }
0x3f: {  	_ =	shalt  }
0x40: {  	_ =	shalt  }
0x41: {  	_ =	shalt  }
0x42: {  	_ =	shalt  }
0x43: {  	_ =	shalt  }
0x44: {  	_ =	shalt  }
0x45: {  	_ =	shalt  }
0x46: {  	_ =	shalt  }
0x47: {  	_ =	shalt  }
0x48: {  	_ =	shalt  }
0x49: {  	_ =	shalt  }
0x4a: {  	_ =	shalt  }
0x4b: {  	_ =	shalt  }
0x4c: {  	_ =	shalt  }
0x4d: {  	_ =	shalt  }
0x4e: {  	_ =	shalt  }
0x4f: {  	_ =	shalt  }
0x50: {  	_ =	shalt  }
0x51: {  	_ =	shalt  }
0x52: {  	_ =	shalt  }
0x53: {  	_ =	shalt  }
0x54: {  	_ =	shalt  }
0x55: {  	_ =	shalt  }
0x56: {  	_ =	shalt  }
0x57: {  	_ =	shalt  }
0x58: {  	_ =	shalt  }
0x59: {  	_ =	shalt  }
0x5a: {  	_ =	shalt  }
0x5b: {  	_ =	shalt  }
0x5c: {  	_ =	shalt  }
0x5d: {  	_ =	shalt  }
0x5e: {  	_ =	shalt  }
0x5f: {  	_ =	shalt  }
0x60: {  	_ =	shalt  }
0x61: {  	_ =	shalt  }
0x62: {  	_ =	shalt  }
0x63: {  	_ =	shalt  }
0x64: {  	_ =	shalt  }
0x65: {  	_ =	shalt  }
0x66: {  	_ =	shalt  }
0x67: {  	_ =	shalt  }
0x68: {  	_ =	shalt  }
0x69: {  	_ =	shalt  }
0x6a: {  	_ =	shalt  }
0x6b: {  	_ =	shalt  }
0x6c: {  	_ =	shalt  }
0x6d: {  	_ =	shalt  }
0x6e: {  	_ =	shalt  }
0x6f: {  	_ =	shalt  }
0x70: {  	_ =	shalt  }
0x71: {  	_ =	shalt  }
0x72: {  	_ =	shalt  }
0x73: {  	_ =	shalt  }
0x74: {  	_ =	shalt  }
0x75: {  	_ =	shalt  }
0x76: {  	_ =	shalt  }
0x77: {  	_ =	shalt  }
0x78: {  	_ =	shalt  }
0x79: {  	_ =	shalt  }
0x7a: {  	_ =	shalt  }
0x7b: {  	_ =	shalt  }
0x7c: {  	_ =	shalt  }
0x7d: {  	_ =	shalt  }
0x7e: {  	_ =	shalt  }
0x7f: {  	_ =	shalt  }
0x80: {  	_ =	shalt  }
0x81: {  	_ =	shalt  }
0x82: {  	_ =	shalt  }
0x83: {  	_ =	shalt  }
0x84: {  	_ =	shalt  }
0x85: {  	_ =	shalt  }
0x86: {  	_ =	shalt  }
0x87: {  	_ =	shalt  }
.Lfunc_end0:
.L_simem_size_0:
called_computation_lowered:
.L_overlay_start_0:
0x88: {  	s2 =	sld [smem:$0x3FD9]  }
0x89: {  	s3 =	sld [smem:$0x3FFE];
	_ =	sdelay $0x1  }
0x8a: {  	s1 =	srdreg.scid  }
0x8b: {  	s0 =	sand.u32 $0x1, s1  }
0x8c: {  	s17 =	sshll.u32 s0, $0xA;
	s2 =	sadd.s32 s3, s2  }
0x8d: {  	s2 =	sadd.s32 s2, s17  }
0x8e: {  	[smem:$0x3FC5] =	sst s2  }
0x8f: {  	_ = 	snop  }
0x90: {  	s2 =	sld [smem:$0x3FD0];
	(tm) =	ssettm $0x1  }
0x91: {  	s18 =	sld [smem:$0x3FFB];
	_ =	sdelay $0x3  }
0x92: {  	_ =	strace s18  }
0x93: {  	s3 =	sld [smem:$0x3FFC];
	_ =	sdelay $0x3  }
0x94: {  	_ =	strace s3  }
0x95: {  	s3 =	sld [smem:$0x3FFD];
	_ =	sdelay $0x3  }
0x96: {  	_ =	strace s3  }
0x97: {  	_ =	strace $0x8FFFFFFF  }
0x98: {  	s19 =	sld [smem:$0x3FDB];
	_ =	sdelay $0x1  }
0x99: {  	s4 =	simm.s32 $_scs_section_size  }
0x9a: {  	s5 =	simm.s32 $_size__tile_overlayer_lowered;
	s6 =	simm.s32 $_tile_overlayer_lowered  }
0x9b: {  	s22 =	simm.s32 $0x1BFF;
	s21 =	sshll.u32 s6, $0x1;
	s3 =	sadd.s32 s4, s19  }
0x9c: {  	s7 =	simm.s32 $0x0;
	s20 =	sshll.u32 s5, $0x1;
	s5 =	sadd.s32 s21, s3  }
0x9d: {  	[timem:s7], [sflag:s22] =	dma.local [hbm:s5], s20  }
0x9e: {  	_ =	swait.ge [sflag:s22], s20  }
0x9f: {  	s4 =	ssub.s32 $0x0, s20;
	[sflag:s22] =	ssyncset.done $0x0  }
0xa0: {  	[sflag:s22] =	ssyncadd.s32 s4;
	_ =	sdelay $0x1  }
0xa1: {  	s23 =	simm.s32 $0x1B8B  }
0xa2: {  	_ =	swait.ge [sflag:s23], $0x1  }
0xa3: {  	[sflag:s23] =	ssyncset.done $0x0  }
0xa4: {  	s25 =	simm.s32 $0x1B8E;
	s24 =	sld [smem:$0x3FFE];
	[sflag:s23] =	ssyncadd.s32 $0xFFFFFFFF  }
0xa5: {  	s26 =	simm.s32 $execute0_lowered;
	[smem:$0x3FD2] =	sst s25  }
0xa6: {  	s5 =	sshll.u32 s26, $0x1;
	_ =	strace $0x80000046;
	[dreg:$0x1] =	wrdreg $0xFFFFFFFF  }
0xa7: {  	s28 =	simm.s32 $_size_execute0_lowered;
	s3 =	sadd.s32 s3, s5;
	[dreg:$0x0] =	wrdreg $0x0  }
0xa8: {  	s5 =	sshll.u32 s28, $0x1;
	[dreg:$0x2] =	wrdreg s3  }
0xa9: {  	[dreg:$0x3] =	wrdreg s5  }
0xaa: {  	[dreg:$0x4] =	wrdreg $0xC0  }
0xab: {  	_ =	task [dreg:s7], $0x5FFFF  }
0xac: {  	[dreg:$0x1] =	wrdreg $0xFFFFFFFF  }
0xad: {  	[dreg:$0x0] =	wrdreg $0x60  }
0xae: {  	[dreg:$0x2] =	wrdreg s2  }
0xaf: {  	[dreg:$0x3] =	wrdreg s24  }
0xb0: {  	[dreg:$0x4] =	wrdreg $0x9  }
0xb1: {  	_ =	task.clear_ibuf [dreg:s7], $0x5FFFF;
	_ =	strace $0x90000046  }
0xb2: {  	s29 =	simm.s32 $0x9;
	_ =	strace $0x80000048  }
0xb3: {  	_ =	swait.ge [sflag:s29], $0x1  }
0xb4: {  	[sflag:s29] =	ssyncadd.s32 $0xFFFFFFFF  }
0xb5: {  	_ =	strace $0x90000048  }
0xb6: {  	_ =	sfence  }
0xb7: {  	s30 =	sld [smem:$0x0];
	_ =	sdelay $0x2  }
0xb8: {  	s31 =	sshll.u32 s1, $0xD;
	s1 =	sshrl.u32 s1, $0x2  }
0xb9: {  	s3 =	sand.u32 $0x4000, s31;
	s1 =	sadd.s32 s1, s30  }
0xba: {  	s0 =	sor.u32 s3, s0;
	s1 =	sshll.u32 s1, $0x11  }
0xbb: {  	s0 =	sor.u32 s1, s0  }
0xbc: {  	s0 =	sadd.s32 $0x8F2B, s0  }
0xbd: {  	[sflag:s0] =	ssyncadd.remote.s32 $0x1  }
0xbe: {  	_ =	sfence.sel $0xFFFF  }
0xbf: {  	[dreg:$0x0] =	wrdreg $0xFFFFFFFF;
	(pc) =	sbr.abs _section_cstart, $3  }
0xc0: {  	[dreg:$0x1] =	wrdreg $0xFFFFFFFF  }
0xc1: {  	_ =	task.clear_ibuf [dreg:s7], $0x2FFFF;
	_ =	strace $0x9FFFFFFF  }
0xc2: {  	(tm) =	ssettm $0x7FFFFFFF  }
0xc3: {  	_ =	shalt  }
tec
execute0_lowered:
.L_overlay_start_1:
0x0: {  	(tag) =	ssettag $0x1  }
0x1: {  	s3 =	rddreg [dreg:$0x0]  }
0x2: {  	s1 =	rddreg [dreg:$0x1];
	s2 =	simm.s32 $0x0;
	s0 =	srdreg.scid  }
0x3: {  	s4 =	stileid.u32;
	s31 =	simm.s32 $0x1000;
	p0 =	por $0x0, $0x0  }
0x4: {  	[smem:$0x7FF] =	sst s2;
	s5 =	sand.u32 $0x1, s0;
	s0 =	sadd.s32 $0x800, s1  }
0x5: {  	s6 =	sshll.u32 s4, $0x11;
	s11 =	sadd.s32 $0x40800, s1;
	s7 =	sshll.u32 s5, $0x10  }
0x6: {  	_ =	strace $0x80000047;
	s14 =	ssub.s32 $0x2, s5;
	s6 =	sor.u32 s7, s6  }
0x7: {  	s5 =	sshrl.u32 s14, $0x1;
	s7 =	sshrl.u32 s6, $0x3;
	s8 =	sor.u32 $0x1000, s6  }
0x8: {  	s5 =	ssub.s32 s14, s5;
	s18 =	sor.u32 $0x2000, s6;
	s19 =	sadd.s32 s11, s6  }
0x9: {  	s21 =	sor.u32 $0x3000, s6;
	s15 =	sadd.s32 s0, s7;
	[dreg:$0x5] =	wrdreg s19  }
0xa: {  	s25 =	sor.u32 $0x4000, s6;
	s22 =	sadd.s32 s11, s8;
	[dreg:$0x3] =	wrdreg s15  }
0xb: {  	s12 =	sor.u32 $0x5000, s6;
	s26 =	sadd.s32 s11, s18;
	[dreg:$0x7] =	wrdreg s22  }
0xc: {  	s16 =	sshrl.u32 s8, $0x3;
	s13 =	sadd.s32 s11, s21;
	[dreg:$0x9] =	wrdreg s26  }
0xd: {  	s23 =	sshrl.u32 s21, $0x3;
	s21 =	sadd.s32 s11, s12;
	[dreg:$0xb] =	wrdreg s13  }
0xe: {  	s9 =	sshrl.u32 s18, $0x3;
	s17 =	sadd.s32 s0, s16;
	[dreg:$0xf] =	wrdreg s21  }
0xf: {  	s4 =	sshrl.u32 s25, $0x3;
	s20 =	sadd.s32 s0, s9;
	[dreg:$0x4] =	wrdreg s17  }
0x10: {  	s14 =	sshrl.u32 s12, $0x3;
	s24 =	sadd.s32 s0, s23;
	[dreg:$0x6] =	wrdreg s20  }
0x11: {  	s7 =	simm.s32 $0x5;
	s10 =	sadd.s32 s0, s4;
	[dreg:$0x8] =	wrdreg s24  }
0x12: {  	s15 =	sadd.s32 s0, s14;
	s16 =	sor.u32 $0x6000, s6;
	[dreg:$0xa] =	wrdreg s10  }
0x13: {  	s9 =	sor.u32 $0xA000, s6;
	s13 =	sor.u32 $0xB000, s6;
	[dreg:$0xc] =	wrdreg s15  }
0x14: {  	s17 =	sadd.s32 s11, s25;
	s18 =	sshrl.u32 s16, $0x3;
	s20 =	sor.u32 $0x7000, s6  }
0x15: {  	s24 =	sor.u32 $0x8000, s6;
	s10 =	sor.u32 $0x9000, s6;
	s30 =	sadd.s32 s11, s16  }
0x16: {  	s12 =	sshrl.u32 s9, $0x3;
	s14 =	sshrl.u32 s13, $0x3;
	s15 =	sor.u32 $0xC000, s6  }
0x17: {  	s21 =	sadd.s32 s11, s9;
	s9 =	simm.s32 $0xA000;
	s1 =	rddreg [dreg:$0x3]  }
0x18: {  	[dreg:$0xd] =	wrdreg s17;
	s19 =	sadd.s32 s0, s18;
	s22 =	sshrl.u32 s20, $0x3  }
0x19: {  	s25 =	sshrl.u32 s24, $0x3;
	s26 =	sshrl.u32 s10, $0x3;
	s28 =	sadd.s32 s11, s20  }
0x1a: {  	s16 =	sshrl.u32 s15, $0x3;
	s17 =	sor.u32 $0xD000, s6;
	s20 =	sadd.s32 s11, s13  }
0x1b: {  	s18 =	sadd.s32 s11, s15;
	s15 =	smax.u32 s5, $0x1;
	[dreg:$0xe] =	wrdreg s19  }
0x1c: {  	s23 =	sadd.s32 s0, s22;
	s4 =	sadd.s32 s0, s25;
	s29 =	sadd.s32 s0, s26  }
0x1d: {  	s25 =	sadd.s32 s11, s24;
	s26 =	sadd.s32 s0, s12;
	s24 =	sadd.s32 s0, s14  }
0x1e: {  	s22 =	sadd.s32 s0, s16;
	[dreg:$0x12] =	wrdreg s20;
	s8 =	sshrl.u32 s17, $0x3  }
0x1f: {  	s14 =	sadd.s32 s11, s17;
	s16 =	simm.s32 $0x1;
	p1 =	sne.s32 s15, $0x1  }
0x20: {  	s5 =	sadd.s32 $0xFFFFFFFF, s15;
	s15 =	simm.s32 $0x3;
	[dreg:$0x10] =	wrdreg s23  }
.Ltmp0:
0x21: {  	s23 =	sadd.s32 s11, s10;
	s10 =	sor.u32 $0xE000, s6;
	(pc) =	sbr.rel @!p1 .LBB2_3-.Ltmp0, $4  }
0x22: {  	s20 =	sadd.s32 s0, s8;
	s6 =	sor.u32 $0xF000, s6;
	s12 =	sshrl.u32 s10, $0x3  }
0x23: {  	s13 =	sshrl.u32 s6, $0x3;
	s8 =	sadd.s32 s11, s6;
	s6 =	simm.s32 $0x6  }
0x24: {  	s19 =	sadd.s32 s0, s12;
	s17 =	sadd.s32 s0, s13;
	s13 =	sadd.s32 s11, s10  }
0x25: {  	s11 =	simm.s32 $0x2000;
	s12 =	simm.s32 $0x2;
	s10 =	simm.s32 $0x4  }
0x26: {  	[tilespmem:s2], [sflag:$0x1] =	stream.linear.gather [hbm4b:s1+s2], $0x1000, $0x38;
	[tilespmem:$0x12000] =	vst v63  }
0x27: {  	s0 =	rddreg [dreg:$0x4]  }
0x28: {  	[tilespmem:s31], [sflag:$0x2] =	stream.linear.gather [hbm4b:s0+s2], $0x1000, $0x38;
	[tilespmem:$0x12000] =	vst v63  }
0x29: {  	_ =	swait.ge [sflag:s16], $0x1000  }
0x2a: {  	[sflag:s16] =	ssyncset.done $0x0  }
0x2b: {  	[sflag:s16] =	ssyncadd.s32 $0xFFFFF000  }
0x2c: {  	[tilespmem:s11], [sflag:$0x3] =	stream.indirect.gather [hbm4b:s3+s31], $0x8, s2, s31, $0xb8;
	[tilespmem:$0x12000] =	vst v63  }
0x2d: {  	_ =	swait.ge [sflag:s15], $0x8000  }
0x2e: {  	[sflag:s15] =	ssyncset.done $0x0  }
0x2f: {  	s0 =	rddreg [dreg:$0x5];
	[sflag:s15] =	ssyncadd.s32 $0xFFFF8000  }
0x30: {  	[hbm4b:s0+s2] =	stream.linear.scatter [tilespmem:s11], [sflag:$0x5], $0x8000, $0x38;
	[tilespmem:$0x12000] =	vst v63  }
0x31: {  	s1 =	rddreg [dreg:$0x6]  }
0x32: {  	[tilespmem:s2], [sflag:$0x1] =	stream.linear.gather [hbm4b:s1+s2], $0x1000, $0x38;
	[tilespmem:$0x12000] =	vst v63  }
0x33: {  	_ =	swait.ge [sflag:s12], $0x1000  }
0x34: {  	[sflag:s12] =	ssyncset.done $0x0  }
0x35: {  	[sflag:s12] =	ssyncadd.s32 $0xFFFFF000  }
0x36: {  	[tilespmem:s9], [sflag:$0x4] =	stream.indirect.gather [hbm4b:s3+s31], $0x8, s31, s31, $0xb8;
	[tilespmem:$0x12000] =	vst v63  }
0x37: {  	_ =	swait.ge [sflag:s10], $0x8000  }
0x38: {  	[sflag:s10] =	ssyncset.done $0x0  }
0x39: {  	s0 =	rddreg [dreg:$0x7];
	[sflag:s10] =	ssyncadd.s32 $0xFFFF8000  }
0x3a: {  	[hbm4b:s0+s2] =	stream.linear.scatter [tilespmem:s9], [sflag:$0x6], $0x8000, $0x38;
	[tilespmem:$0x12000] =	vst v63  }
0x3b: {  	s1 =	rddreg [dreg:$0x8]  }
0x3c: {  	[tilespmem:s31], [sflag:$0x2] =	stream.linear.gather [hbm4b:s1+s2], $0x1000, $0x38;
	[tilespmem:$0x12000] =	vst v63  }
0x3d: {  	_ =	swait.ge [sflag:s16], $0x1000  }
0x3e: {  	[sflag:s16] =	ssyncset.done $0x0  }
0x3f: {  	[sflag:s16] =	ssyncadd.s32 $0xFFFFF000  }
0x40: {  	_ =	swait.ge [sflag:s7], $0x8000  }
0x41: {  	[sflag:s7] =	ssyncset.done $0x0  }
0x42: {  	[sflag:s7] =	ssyncadd.s32 $0xFFFF8000  }
0x43: {  	[tilespmem:s11], [sflag:$0x3] =	stream.indirect.gather [hbm4b:s3+s31], $0x8, s2, s31, $0xb8;
	[tilespmem:$0x12000] =	vst v63  }
0x44: {  	_ =	swait.ge [sflag:s15], $0x8000  }
0x45: {  	[sflag:s15] =	ssyncset.done $0x0  }
0x46: {  	s0 =	rddreg [dreg:$0x9];
	[sflag:s15] =	ssyncadd.s32 $0xFFFF8000  }
0x47: {  	[hbm4b:s0+s2] =	stream.linear.scatter [tilespmem:s11], [sflag:$0x5], $0x8000, $0x38;
	[tilespmem:$0x12000] =	vst v63  }
0x48: {  	s1 =	rddreg [dreg:$0xa]  }
0x49: {  	[tilespmem:s2], [sflag:$0x1] =	stream.linear.gather [hbm4b:s1+s2], $0x1000, $0x38;
	[tilespmem:$0x12000] =	vst v63  }
0x4a: {  	_ =	swait.ge [sflag:s12], $0x1000  }
0x4b: {  	[sflag:s12] =	ssyncset.done $0x0  }
0x4c: {  	[sflag:s12] =	ssyncadd.s32 $0xFFFFF000  }
0x4d: {  	_ =	swait.ge [sflag:s6], $0x8000  }
0x4e: {  	[sflag:s6] =	ssyncset.done $0x0  }
0x4f: {  	[sflag:s6] =	ssyncadd.s32 $0xFFFF8000  }
0x50: {  	[tilespmem:s9], [sflag:$0x4] =	stream.indirect.gather [hbm4b:s3+s31], $0x8, s31, s31, $0xb8;
	[tilespmem:$0x12000] =	vst v63  }
0x51: {  	_ =	swait.ge [sflag:s10], $0x8000  }
0x52: {  	[sflag:s10] =	ssyncset.done $0x0  }
0x53: {  	s0 =	rddreg [dreg:$0xb];
	[sflag:s10] =	ssyncadd.s32 $0xFFFF8000  }
0x54: {  	[hbm4b:s0+s2] =	stream.linear.scatter [tilespmem:s9], [sflag:$0x6], $0x8000, $0x38;
	[tilespmem:$0x12000] =	vst v63  }
0x55: {  	s1 =	rddreg [dreg:$0xc]  }
0x56: {  	[tilespmem:s31], [sflag:$0x2] =	stream.linear.gather [hbm4b:s1+s2], $0x1000, $0x38;
	[tilespmem:$0x12000] =	vst v63  }
0x57: {  	_ =	swait.ge [sflag:s16], $0x1000  }
0x58: {  	[sflag:s16] =	ssyncset.done $0x0  }
0x59: {  	[sflag:s16] =	ssyncadd.s32 $0xFFFFF000  }
0x5a: {  	_ =	swait.ge [sflag:s7], $0x8000  }
0x5b: {  	[sflag:s7] =	ssyncset.done $0x0  }
0x5c: {  	[sflag:s7] =	ssyncadd.s32 $0xFFFF8000  }
0x5d: {  	[tilespmem:s11], [sflag:$0x3] =	stream.indirect.gather [hbm4b:s3+s31], $0x8, s2, s31, $0xb8;
	[tilespmem:$0x12000] =	vst v63  }
0x5e: {  	_ =	swait.ge [sflag:s15], $0x8000  }
0x5f: {  	[sflag:s15] =	ssyncset.done $0x0  }
0x60: {  	s0 =	rddreg [dreg:$0xd];
	[sflag:s15] =	ssyncadd.s32 $0xFFFF8000  }
0x61: {  	[hbm4b:s0+s2] =	stream.linear.scatter [tilespmem:s11], [sflag:$0x5], $0x8000, $0x38;
	[tilespmem:$0x12000] =	vst v63  }
0x62: {  	s1 =	rddreg [dreg:$0xe]  }
0x63: {  	[tilespmem:s2], [sflag:$0x1] =	stream.linear.gather [hbm4b:s1+s2], $0x1000, $0x38;
	[tilespmem:$0x12000] =	vst v63  }
0x64: {  	_ =	swait.ge [sflag:s12], $0x1000  }
0x65: {  	[sflag:s12] =	ssyncset.done $0x0  }
0x66: {  	[sflag:s12] =	ssyncadd.s32 $0xFFFFF000  }
0x67: {  	_ =	swait.ge [sflag:s6], $0x8000  }
0x68: {  	[sflag:s6] =	ssyncset.done $0x0  }
0x69: {  	[sflag:s6] =	ssyncadd.s32 $0xFFFF8000  }
0x6a: {  	[tilespmem:s9], [sflag:$0x4] =	stream.indirect.gather [hbm4b:s3+s31], $0x8, s31, s31, $0xb8;
	[tilespmem:$0x12000] =	vst v63  }
0x6b: {  	_ =	swait.ge [sflag:s10], $0x8000  }
0x6c: {  	[sflag:s10] =	ssyncset.done $0x0  }
0x6d: {  	s0 =	rddreg [dreg:$0xf];
	[sflag:s10] =	ssyncadd.s32 $0xFFFF8000  }
0x6e: {  	[hbm4b:s0+s2] =	stream.linear.scatter [tilespmem:s9], [sflag:$0x6], $0x8000, $0x38;
	[tilespmem:$0x12000] =	vst v63  }
0x6f: {  	s1 =	rddreg [dreg:$0x10]  }
0x70: {  	[tilespmem:s31], [sflag:$0x2] =	stream.linear.gather [hbm4b:s1+s2], $0x1000, $0x38;
	[tilespmem:$0x12000] =	vst v63  }
0x71: {  	_ =	swait.ge [sflag:s16], $0x1000  }
0x72: {  	[sflag:s16] =	ssyncset.done $0x0  }
0x73: {  	[sflag:s16] =	ssyncadd.s32 $0xFFFFF000  }
0x74: {  	_ =	swait.ge [sflag:s7], $0x8000  }
0x75: {  	[sflag:s7] =	ssyncset.done $0x0  }
0x76: {  	[sflag:s7] =	ssyncadd.s32 $0xFFFF8000  }
0x77: {  	[tilespmem:s11], [sflag:$0x3] =	stream.indirect.gather [hbm4b:s3+s31], $0x8, s2, s31, $0xb8;
	[tilespmem:$0x12000] =	vst v63  }
0x78: {  	_ =	swait.ge [sflag:s15], $0x8000  }
0x79: {  	[sflag:s15] =	ssyncset.done $0x0  }
0x7a: {  	[sflag:s15] =	ssyncadd.s32 $0xFFFF8000  }
0x7b: {  	[hbm4b:s30+s2] =	stream.linear.scatter [tilespmem:s11], [sflag:$0x5], $0x8000, $0x38;
	[tilespmem:$0x12000] =	vst v63  }
0x7c: {  	_ = 	snop  }
0x7d: {  	[tilespmem:s2], [sflag:$0x1] =	stream.linear.gather [hbm4b:s4+s2], $0x1000, $0x38;
	[tilespmem:$0x12000] =	vst v63  }
0x7e: {  	_ =	swait.ge [sflag:s12], $0x1000  }
0x7f: {  	[sflag:s12] =	ssyncset.done $0x0  }
0x80: {  	[sflag:s12] =	ssyncadd.s32 $0xFFFFF000  }
0x81: {  	_ =	swait.ge [sflag:s6], $0x8000  }
0x82: {  	[sflag:s6] =	ssyncset.done $0x0  }
0x83: {  	[sflag:s6] =	ssyncadd.s32 $0xFFFF8000  }
0x84: {  	[tilespmem:s9], [sflag:$0x4] =	stream.indirect.gather [hbm4b:s3+s31], $0x8, s31, s31, $0xb8;
	[tilespmem:$0x12000] =	vst v63  }
0x85: {  	_ =	swait.ge [sflag:s10], $0x8000  }
0x86: {  	[sflag:s10] =	ssyncset.done $0x0  }
0x87: {  	[sflag:s10] =	ssyncadd.s32 $0xFFFF8000  }
0x88: {  	[hbm4b:s28+s2] =	stream.linear.scatter [tilespmem:s9], [sflag:$0x6], $0x8000, $0x38;
	[tilespmem:$0x12000] =	vst v63  }
0x89: {  	_ = 	snop  }
0x8a: {  	[tilespmem:s31], [sflag:$0x2] =	stream.linear.gather [hbm4b:s29+s2], $0x1000, $0x38;
	[tilespmem:$0x12000] =	vst v63  }
0x8b: {  	_ =	swait.ge [sflag:s16], $0x1000  }
0x8c: {  	[sflag:s16] =	ssyncset.done $0x0  }
0x8d: {  	[sflag:s16] =	ssyncadd.s32 $0xFFFFF000  }
0x8e: {  	_ =	swait.ge [sflag:s7], $0x8000  }
0x8f: {  	[sflag:s7] =	ssyncset.done $0x0  }
0x90: {  	[sflag:s7] =	ssyncadd.s32 $0xFFFF8000  }
0x91: {  	[tilespmem:s11], [sflag:$0x3] =	stream.indirect.gather [hbm4b:s3+s31], $0x8, s2, s31, $0xb8;
	[tilespmem:$0x12000] =	vst v63  }
0x92: {  	_ =	swait.ge [sflag:s15], $0x8000  }
0x93: {  	[sflag:s15] =	ssyncset.done $0x0  }
0x94: {  	[sflag:s15] =	ssyncadd.s32 $0xFFFF8000  }
0x95: {  	[hbm4b:s25+s2] =	stream.linear.scatter [tilespmem:s11], [sflag:$0x5], $0x8000, $0x38;
	[tilespmem:$0x12000] =	vst v63  }
0x96: {  	_ = 	snop  }
0x97: {  	[tilespmem:s2], [sflag:$0x1] =	stream.linear.gather [hbm4b:s26+s2], $0x1000, $0x38;
	[tilespmem:$0x12000] =	vst v63  }
0x98: {  	_ =	swait.ge [sflag:s12], $0x1000  }
0x99: {  	[sflag:s12] =	ssyncset.done $0x0  }
0x9a: {  	[sflag:s12] =	ssyncadd.s32 $0xFFFFF000  }
0x9b: {  	_ =	swait.ge [sflag:s6], $0x8000  }
0x9c: {  	[sflag:s6] =	ssyncset.done $0x0  }
0x9d: {  	[sflag:s6] =	ssyncadd.s32 $0xFFFF8000  }
0x9e: {  	[tilespmem:s9], [sflag:$0x4] =	stream.indirect.gather [hbm4b:s3+s31], $0x8, s31, s31, $0xb8;
	[tilespmem:$0x12000] =	vst v63  }
0x9f: {  	_ =	swait.ge [sflag:s10], $0x8000  }
0xa0: {  	[sflag:s10] =	ssyncset.done $0x0  }
0xa1: {  	[sflag:s10] =	ssyncadd.s32 $0xFFFF8000  }
0xa2: {  	[hbm4b:s23+s2] =	stream.linear.scatter [tilespmem:s9], [sflag:$0x6], $0x8000, $0x38;
	[tilespmem:$0x12000] =	vst v63  }
0xa3: {  	_ = 	snop  }
0xa4: {  	[tilespmem:s31], [sflag:$0x2] =	stream.linear.gather [hbm4b:s24+s2], $0x1000, $0x38;
	[tilespmem:$0x12000] =	vst v63  }
0xa5: {  	_ =	swait.ge [sflag:s16], $0x1000  }
0xa6: {  	[sflag:s16] =	ssyncset.done $0x0  }
0xa7: {  	[sflag:s16] =	ssyncadd.s32 $0xFFFFF000  }
0xa8: {  	_ =	swait.ge [sflag:s7], $0x8000  }
0xa9: {  	[sflag:s7] =	ssyncset.done $0x0  }
0xaa: {  	[sflag:s7] =	ssyncadd.s32 $0xFFFF8000  }
0xab: {  	[tilespmem:s11], [sflag:$0x3] =	stream.indirect.gather [hbm4b:s3+s31], $0x8, s2, s31, $0xb8;
	[tilespmem:$0x12000] =	vst v63  }
0xac: {  	_ =	swait.ge [sflag:s15], $0x8000  }
0xad: {  	[sflag:s15] =	ssyncset.done $0x0  }
0xae: {  	[sflag:s15] =	ssyncadd.s32 $0xFFFF8000  }
0xaf: {  	[hbm4b:s21+s2] =	stream.linear.scatter [tilespmem:s11], [sflag:$0x5], $0x8000, $0x38;
	[tilespmem:$0x12000] =	vst v63  }
0xb0: {  	_ = 	snop  }
0xb1: {  	[tilespmem:s2], [sflag:$0x1] =	stream.linear.gather [hbm4b:s22+s2], $0x1000, $0x38;
	[tilespmem:$0x12000] =	vst v63  }
0xb2: {  	_ =	swait.ge [sflag:s12], $0x1000  }
0xb3: {  	[sflag:s12] =	ssyncset.done $0x0  }
0xb4: {  	[sflag:s12] =	ssyncadd.s32 $0xFFFFF000  }
0xb5: {  	_ =	swait.ge [sflag:s6], $0x8000  }
0xb6: {  	[sflag:s6] =	ssyncset.done $0x0  }
0xb7: {  	[sflag:s6] =	ssyncadd.s32 $0xFFFF8000  }
0xb8: {  	[tilespmem:s9], [sflag:$0x4] =	stream.indirect.gather [hbm4b:s3+s31], $0x8, s31, s31, $0xb8;
	[tilespmem:$0x12000] =	vst v63  }
0xb9: {  	_ =	swait.ge [sflag:s10], $0x8000  }
0xba: {  	[sflag:s10] =	ssyncset.done $0x0  }
0xbb: {  	s1 =	rddreg [dreg:$0x12];
	[sflag:s10] =	ssyncadd.s32 $0xFFFF8000  }
0xbc: {  	[hbm4b:s1+s2] =	stream.linear.scatter [tilespmem:s9], [sflag:$0x6], $0x8000, $0x38;
	[tilespmem:$0x12000] =	vst v63  }
0xbd: {  	_ = 	snop  }
0xbe: {  	[tilespmem:s31], [sflag:$0x2] =	stream.linear.gather [hbm4b:s20+s2], $0x1000, $0x38;
	[tilespmem:$0x12000] =	vst v63  }
0xbf: {  	_ =	swait.ge [sflag:s16], $0x1000  }
0xc0: {  	[sflag:s16] =	ssyncset.done $0x0  }
0xc1: {  	[sflag:s16] =	ssyncadd.s32 $0xFFFFF000  }
0xc2: {  	_ =	swait.ge [sflag:s7], $0x8000  }
0xc3: {  	[sflag:s7] =	ssyncset.done $0x0  }
0xc4: {  	[sflag:s7] =	ssyncadd.s32 $0xFFFF8000  }
0xc5: {  	[tilespmem:s11], [sflag:$0x3] =	stream.indirect.gather [hbm4b:s3+s31], $0x8, s2, s31, $0xb8;
	[tilespmem:$0x12000] =	vst v63  }
0xc6: {  	_ =	swait.ge [sflag:s15], $0x8000  }
0xc7: {  	[sflag:s15] =	ssyncset.done $0x0  }
0xc8: {  	[sflag:s15] =	ssyncadd.s32 $0xFFFF8000  }
0xc9: {  	[hbm4b:s18+s2] =	stream.linear.scatter [tilespmem:s11], [sflag:$0x5], $0x8000, $0x38;
	[tilespmem:$0x12000] =	vst v63  }
0xca: {  	_ = 	snop  }
0xcb: {  	[tilespmem:s2], [sflag:$0x1] =	stream.linear.gather [hbm4b:s19+s2], $0x1000, $0x38;
	[tilespmem:$0x12000] =	vst v63  }
0xcc: {  	_ =	swait.ge [sflag:s12], $0x1000  }
0xcd: {  	[sflag:s12] =	ssyncset.done $0x0  }
0xce: {  	[sflag:s12] =	ssyncadd.s32 $0xFFFFF000  }
0xcf: {  	_ =	swait.ge [sflag:s6], $0x8000  }
0xd0: {  	[sflag:s6] =	ssyncset.done $0x0  }
0xd1: {  	[sflag:s6] =	ssyncadd.s32 $0xFFFF8000  }
0xd2: {  	[tilespmem:s9], [sflag:$0x4] =	stream.indirect.gather [hbm4b:s3+s31], $0x8, s31, s31, $0xb8;
	[tilespmem:$0x12000] =	vst v63  }
0xd3: {  	_ =	swait.ge [sflag:s10], $0x8000  }
0xd4: {  	[sflag:s10] =	ssyncset.done $0x0  }
0xd5: {  	[sflag:s10] =	ssyncadd.s32 $0xFFFF8000  }
0xd6: {  	[hbm4b:s14+s2] =	stream.linear.scatter [tilespmem:s9], [sflag:$0x6], $0x8000, $0x38;
	[tilespmem:$0x12000] =	vst v63  }
0xd7: {  	_ = 	snop  }
0xd8: {  	[tilespmem:s31], [sflag:$0x2] =	stream.linear.gather [hbm4b:s17+s2], $0x1000, $0x38;
	[tilespmem:$0x12000] =	vst v63  }
0xd9: {  	_ =	swait.ge [sflag:s16], $0x1000  }
0xda: {  	[sflag:s16] =	ssyncset.done $0x0  }
0xdb: {  	[sflag:s16] =	ssyncadd.s32 $0xFFFFF000  }
0xdc: {  	_ =	swait.ge [sflag:s7], $0x8000  }
0xdd: {  	[sflag:s7] =	ssyncset.done $0x0  }
0xde: {  	[sflag:s7] =	ssyncadd.s32 $0xFFFF8000  }
0xdf: {  	[tilespmem:s11], [sflag:$0x3] =	stream.indirect.gather [hbm4b:s3+s31], $0x8, s2, s31, $0xb8;
	[tilespmem:$0x12000] =	vst v63  }
0xe0: {  	_ =	swait.ge [sflag:s15], $0x8000  }
0xe1: {  	[sflag:s15] =	ssyncset.done $0x0  }
0xe2: {  	[sflag:s15] =	ssyncadd.s32 $0xFFFF8000  }
0xe3: {  	[hbm4b:s13+s2] =	stream.linear.scatter [tilespmem:s11], [sflag:$0x5], $0x8000, $0x38;
	[tilespmem:$0x12000] =	vst v63  }
0xe4: {  	_ =	swait.ge [sflag:s12], $0x1000  }
0xe5: {  	[sflag:s12] =	ssyncset.done $0x0  }
0xe6: {  	[sflag:s12] =	ssyncadd.s32 $0xFFFFF000  }
0xe7: {  	_ =	swait.ge [sflag:s6], $0x8000  }
0xe8: {  	[sflag:s6] =	ssyncset.done $0x0  }
0xe9: {  	[sflag:s6] =	ssyncadd.s32 $0xFFFF8000  }
0xea: {  	[tilespmem:s9], [sflag:$0x4] =	stream.indirect.gather [hbm4b:s3+s31], $0x8, s31, s31, $0xb8;
	[tilespmem:$0x12000] =	vst v63  }
0xeb: {  	_ =	swait.ge [sflag:s10], $0x8000  }
0xec: {  	[sflag:s10] =	ssyncset.done $0x0  }
0xed: {  	p1 =	sne.s32 s5, $0x1;
	[sflag:s10] =	ssyncadd.s32 $0xFFFF8000  }
0xee: {  	[hbm4b:s8+s2] =	stream.linear.scatter [tilespmem:s9], [sflag:$0x6], $0x8000, $0x38;
	[tilespmem:$0x12000] =	vst v63  }
.Ltmp1:
0xef: {  	_ =	swait.ge [sflag:s7], $0x8000;
	(pc) =	sbr.rel @!p1 .LBB2_3-.Ltmp1, $4  }
0xf0: {  	[sflag:s7] =	ssyncset.done $0x0  }
0xf1: {  	[sflag:s7] =	ssyncadd.s32 $0xFFFF8000  }
0xf2: {  	p0 =	por $0x1, $0x1;
	_ =	swait.ge [sflag:s6], $0x8000;
	[dreg:$0x11] =	wrdreg s4  }
0xf3: {  	s0 =	sadd.s32 $0xFFFFFFFF, s5;
	s1 =	rddreg [dreg:$0x3];
	[sflag:s6] =	ssyncset.done $0x0  }
.LBB2_2:
0xf4: {  	[sflag:s6] =	ssyncadd.s32 $0xFFFF8000  }
0xf5: {  	[tilespmem:s2], [sflag:$0x1] =	stream.linear.gather [hbm4b:s1+s2], $0x1000, $0x38;
	[tilespmem:$0x12000] =	vst v63  }
0xf6: {  	s4 =	rddreg [dreg:$0x4]  }
0xf7: {  	[tilespmem:s31], [sflag:$0x2] =	stream.linear.gather [hbm4b:s4+s2], $0x1000, $0x38;
	[tilespmem:$0x12000] =	vst v63  }
0xf8: {  	_ =	swait.ge [sflag:s16], $0x1000  }
0xf9: {  	[sflag:s16] =	ssyncset.done $0x0  }
0xfa: {  	s5 =	simm.s32 $0x2000;
	s9 =	smov.u32 s30;
	[sflag:s16] =	ssyncadd.s32 $0xFFFFF000  }
0xfb: {  	[tilespmem:s5], [sflag:$0x3] =	stream.indirect.gather [hbm4b:s3+s31], $0x8, s2, s31, $0xb8;
	[tilespmem:$0x12000] =	vst v63  }
0xfc: {  	s30 =	smov.u32 s29;
	s29 =	smov.u32 s28;
	_ =	swait.ge [sflag:s15], $0x8000  }
0xfd: {  	s28 =	smov.u32 s26;
	s26 =	smov.u32 s25;
	[sflag:s15] =	ssyncset.done $0x0  }
0xfe: {  	s25 =	smov.u32 s24;
	s4 =	rddreg [dreg:$0x5];
	[sflag:s15] =	ssyncadd.s32 $0xFFFF8000  }
0xff: {  	[hbm4b:s4+s2] =	stream.linear.scatter [tilespmem:s5], [sflag:$0x5], $0x8000, $0x38;
	[tilespmem:$0x12000] =	vst v63  }
0x100: {  	s24 =	smov.u32 s23;
	s23 =	smov.u32 s22;
	s22 =	rddreg [dreg:$0x6]  }
0x101: {  	[tilespmem:s2], [sflag:$0x1] =	stream.linear.gather [hbm4b:s22+s2], $0x1000, $0x38;
	[tilespmem:$0x12000] =	vst v63  }
0x102: {  	_ =	swait.ge [sflag:s12], $0x1000  }
0x103: {  	[sflag:s12] =	ssyncset.done $0x0  }
0x104: {  	s11 =	simm.s32 $0xA000;
	[sflag:s12] =	ssyncadd.s32 $0xFFFFF000  }
0x105: {  	[tilespmem:s11], [sflag:$0x4] =	stream.indirect.gather [hbm4b:s3+s31], $0x8, s31, s31, $0xb8;
	[tilespmem:$0x12000] =	vst v63  }
0x106: {  	_ =	swait.ge [sflag:s10], $0x8000  }
0x107: {  	[sflag:s10] =	ssyncset.done $0x0  }
0x108: {  	s4 =	rddreg [dreg:$0x7];
	[sflag:s10] =	ssyncadd.s32 $0xFFFF8000  }
0x109: {  	[hbm4b:s4+s2] =	stream.linear.scatter [tilespmem:s11], [sflag:$0x6], $0x8000, $0x38;
	[tilespmem:$0x12000] =	vst v63  }
0x10a: {  	s22 =	rddreg [dreg:$0x8]  }
0x10b: {  	[tilespmem:s31], [sflag:$0x2] =	stream.linear.gather [hbm4b:s22+s2], $0x1000, $0x38;
	[tilespmem:$0x12000] =	vst v63  }
0x10c: {  	_ =	swait.ge [sflag:s16], $0x1000  }
0x10d: {  	[sflag:s16] =	ssyncset.done $0x0  }
0x10e: {  	[sflag:s16] =	ssyncadd.s32 $0xFFFFF000  }
0x10f: {  	_ =	swait.ge [sflag:s7], $0x8000  }
0x110: {  	[sflag:s7] =	ssyncset.done $0x0  }
0x111: {  	[sflag:s7] =	ssyncadd.s32 $0xFFFF8000  }
0x112: {  	[tilespmem:s5], [sflag:$0x3] =	stream.indirect.gather [hbm4b:s3+s31], $0x8, s2, s31, $0xb8;
	[tilespmem:$0x12000] =	vst v63  }
0x113: {  	_ =	swait.ge [sflag:s15], $0x8000  }
0x114: {  	[sflag:s15] =	ssyncset.done $0x0  }
0x115: {  	s4 =	rddreg [dreg:$0x9];
	[sflag:s15] =	ssyncadd.s32 $0xFFFF8000  }
0x116: {  	[hbm4b:s4+s2] =	stream.linear.scatter [tilespmem:s5], [sflag:$0x5], $0x8000, $0x38;
	[tilespmem:$0x12000] =	vst v63  }
0x117: {  	s22 =	rddreg [dreg:$0xa]  }
0x118: {  	[tilespmem:s2], [sflag:$0x1] =	stream.linear.gather [hbm4b:s22+s2], $0x1000, $0x38;
	[tilespmem:$0x12000] =	vst v63  }
0x119: {  	_ =	swait.ge [sflag:s12], $0x1000  }
0x11a: {  	[sflag:s12] =	ssyncset.done $0x0  }
0x11b: {  	[sflag:s12] =	ssyncadd.s32 $0xFFFFF000  }
0x11c: {  	_ =	swait.ge [sflag:s6], $0x8000  }
0x11d: {  	[sflag:s6] =	ssyncset.done $0x0  }
0x11e: {  	[sflag:s6] =	ssyncadd.s32 $0xFFFF8000  }
0x11f: {  	[tilespmem:s11], [sflag:$0x4] =	stream.indirect.gather [hbm4b:s3+s31], $0x8, s31, s31, $0xb8;
	[tilespmem:$0x12000] =	vst v63  }
0x120: {  	_ =	swait.ge [sflag:s10], $0x8000  }
0x121: {  	[sflag:s10] =	ssyncset.done $0x0  }
0x122: {  	s4 =	rddreg [dreg:$0xb];
	[sflag:s10] =	ssyncadd.s32 $0xFFFF8000  }
0x123: {  	[hbm4b:s4+s2] =	stream.linear.scatter [tilespmem:s11], [sflag:$0x6], $0x8000, $0x38;
	[tilespmem:$0x12000] =	vst v63  }
0x124: {  	s22 =	rddreg [dreg:$0xc]  }
0x125: {  	[tilespmem:s31], [sflag:$0x2] =	stream.linear.gather [hbm4b:s22+s2], $0x1000, $0x38;
	[tilespmem:$0x12000] =	vst v63  }
0x126: {  	_ =	swait.ge [sflag:s16], $0x1000  }
0x127: {  	[sflag:s16] =	ssyncset.done $0x0  }
0x128: {  	[sflag:s16] =	ssyncadd.s32 $0xFFFFF000  }
0x129: {  	_ =	swait.ge [sflag:s7], $0x8000  }
0x12a: {  	[sflag:s7] =	ssyncset.done $0x0  }
0x12b: {  	[sflag:s7] =	ssyncadd.s32 $0xFFFF8000  }
0x12c: {  	[tilespmem:s5], [sflag:$0x3] =	stream.indirect.gather [hbm4b:s3+s31], $0x8, s2, s31, $0xb8;
	[tilespmem:$0x12000] =	vst v63  }
0x12d: {  	_ =	swait.ge [sflag:s15], $0x8000  }
0x12e: {  	[sflag:s15] =	ssyncset.done $0x0  }
0x12f: {  	s4 =	rddreg [dreg:$0xd];
	[sflag:s15] =	ssyncadd.s32 $0xFFFF8000  }
0x130: {  	[hbm4b:s4+s2] =	stream.linear.scatter [tilespmem:s5], [sflag:$0x5], $0x8000, $0x38;
	[tilespmem:$0x12000] =	vst v63  }
0x131: {  	s22 =	rddreg [dreg:$0xe]  }
0x132: {  	[tilespmem:s2], [sflag:$0x1] =	stream.linear.gather [hbm4b:s22+s2], $0x1000, $0x38;
	[tilespmem:$0x12000] =	vst v63  }
0x133: {  	_ =	swait.ge [sflag:s12], $0x1000  }
0x134: {  	[sflag:s12] =	ssyncset.done $0x0  }
0x135: {  	[sflag:s12] =	ssyncadd.s32 $0xFFFFF000  }
0x136: {  	_ =	swait.ge [sflag:s6], $0x8000  }
0x137: {  	[sflag:s6] =	ssyncset.done $0x0  }
0x138: {  	[sflag:s6] =	ssyncadd.s32 $0xFFFF8000  }
0x139: {  	[tilespmem:s11], [sflag:$0x4] =	stream.indirect.gather [hbm4b:s3+s31], $0x8, s31, s31, $0xb8;
	[tilespmem:$0x12000] =	vst v63  }
0x13a: {  	_ =	swait.ge [sflag:s10], $0x8000  }
0x13b: {  	s4 =	rddreg [dreg:$0xf];
	[sflag:s10] =	ssyncset.done $0x0  }
0x13c: {  	s5 =	rddreg [dreg:$0x10];
	[sflag:s10] =	ssyncadd.s32 $0xFFFF8000  }
0x13d: {  	[hbm4b:s4+s2] =	stream.linear.scatter [tilespmem:s11], [sflag:$0x6], $0x8000, $0x38;
	[tilespmem:$0x12000] =	vst v63  }
0x13e: {  	s4 =	rddreg [dreg:$0x11]  }
0x13f: {  	[tilespmem:s31], [sflag:$0x2] =	stream.linear.gather [hbm4b:s5+s2], $0x1000, $0x38;
	[tilespmem:$0x12000] =	vst v63  }
0x140: {  	s5 =	smov.u32 s13;
	s13 =	rddreg [dreg:$0x12];
	_ =	swait.ge [sflag:s16], $0x1000  }
0x141: {  	[sflag:s16] =	ssyncset.done $0x0  }
0x142: {  	[sflag:s16] =	ssyncadd.s32 $0xFFFFF000  }
0x143: {  	_ =	swait.ge [sflag:s7], $0x8000  }
0x144: {  	s22 =	smov.u32 s23;
	[sflag:s7] =	ssyncset.done $0x0  }
0x145: {  	s23 =	smov.u32 s24;
	s11 =	simm.s32 $0x2000;
	[sflag:s7] =	ssyncadd.s32 $0xFFFF8000  }
0x146: {  	[tilespmem:s11], [sflag:$0x3] =	stream.indirect.gather [hbm4b:s3+s31], $0x8, s2, s31, $0xb8;
	[tilespmem:$0x12000] =	vst v63  }
0x147: {  	s24 =	smov.u32 s25;
	s25 =	smov.u32 s26;
	_ =	swait.ge [sflag:s15], $0x8000  }
0x148: {  	s26 =	smov.u32 s28;
	s28 =	smov.u32 s29;
	[sflag:s15] =	ssyncset.done $0x0  }
0x149: {  	s29 =	smov.u32 s30;
	s30 =	smov.u32 s9;
	[sflag:s15] =	ssyncadd.s32 $0xFFFF8000  }
0x14a: {  	[hbm4b:s30+s2] =	stream.linear.scatter [tilespmem:s11], [sflag:$0x5], $0x8000, $0x38;
	[tilespmem:$0x12000] =	vst v63  }
0x14b: {  	_ = 	snop  }
0x14c: {  	[tilespmem:s2], [sflag:$0x1] =	stream.linear.gather [hbm4b:s4+s2], $0x1000, $0x38;
	[tilespmem:$0x12000] =	vst v63  }
0x14d: {  	_ =	swait.ge [sflag:s12], $0x1000  }
0x14e: {  	[sflag:s12] =	ssyncset.done $0x0  }
0x14f: {  	[sflag:s12] =	ssyncadd.s32 $0xFFFFF000  }
0x150: {  	_ =	swait.ge [sflag:s6], $0x8000  }
0x151: {  	[sflag:s6] =	ssyncset.done $0x0  }
0x152: {  	s9 =	simm.s32 $0xA000;
	[sflag:s6] =	ssyncadd.s32 $0xFFFF8000  }
0x153: {  	[tilespmem:s9], [sflag:$0x4] =	stream.indirect.gather [hbm4b:s3+s31], $0x8, s31, s31, $0xb8;
	[tilespmem:$0x12000] =	vst v63  }
0x154: {  	_ =	swait.ge [sflag:s10], $0x8000  }
0x155: {  	[sflag:s10] =	ssyncset.done $0x0  }
0x156: {  	[sflag:s10] =	ssyncadd.s32 $0xFFFF8000  }
0x157: {  	[hbm4b:s28+s2] =	stream.linear.scatter [tilespmem:s9], [sflag:$0x6], $0x8000, $0x38;
	[tilespmem:$0x12000] =	vst v63  }
0x158: {  	_ = 	snop  }
0x159: {  	[tilespmem:s31], [sflag:$0x2] =	stream.linear.gather [hbm4b:s29+s2], $0x1000, $0x38;
	[tilespmem:$0x12000] =	vst v63  }
0x15a: {  	_ =	swait.ge [sflag:s16], $0x1000  }
0x15b: {  	[sflag:s16] =	ssyncset.done $0x0  }
0x15c: {  	[sflag:s16] =	ssyncadd.s32 $0xFFFFF000  }
0x15d: {  	_ =	swait.ge [sflag:s7], $0x8000  }
0x15e: {  	[sflag:s7] =	ssyncset.done $0x0  }
0x15f: {  	[sflag:s7] =	ssyncadd.s32 $0xFFFF8000  }
0x160: {  	[tilespmem:s11], [sflag:$0x3] =	stream.indirect.gather [hbm4b:s3+s31], $0x8, s2, s31, $0xb8;
	[tilespmem:$0x12000] =	vst v63  }
0x161: {  	_ =	swait.ge [sflag:s15], $0x8000  }
0x162: {  	[sflag:s15] =	ssyncset.done $0x0  }
0x163: {  	[sflag:s15] =	ssyncadd.s32 $0xFFFF8000  }
0x164: {  	[hbm4b:s25+s2] =	stream.linear.scatter [tilespmem:s11], [sflag:$0x5], $0x8000, $0x38;
	[tilespmem:$0x12000] =	vst v63  }
0x165: {  	_ = 	snop  }
0x166: {  	[tilespmem:s2], [sflag:$0x1] =	stream.linear.gather [hbm4b:s26+s2], $0x1000, $0x38;
	[tilespmem:$0x12000] =	vst v63  }
0x167: {  	_ =	swait.ge [sflag:s12], $0x1000  }
0x168: {  	[sflag:s12] =	ssyncset.done $0x0  }
0x169: {  	[sflag:s12] =	ssyncadd.s32 $0xFFFFF000  }
0x16a: {  	_ =	swait.ge [sflag:s6], $0x8000  }
0x16b: {  	[sflag:s6] =	ssyncset.done $0x0  }
0x16c: {  	[sflag:s6] =	ssyncadd.s32 $0xFFFF8000  }
0x16d: {  	[tilespmem:s9], [sflag:$0x4] =	stream.indirect.gather [hbm4b:s3+s31], $0x8, s31, s31, $0xb8;
	[tilespmem:$0x12000] =	vst v63  }
0x16e: {  	_ =	swait.ge [sflag:s10], $0x8000  }
0x16f: {  	[sflag:s10] =	ssyncset.done $0x0  }
0x170: {  	[sflag:s10] =	ssyncadd.s32 $0xFFFF8000  }
0x171: {  	[hbm4b:s23+s2] =	stream.linear.scatter [tilespmem:s9], [sflag:$0x6], $0x8000, $0x38;
	[tilespmem:$0x12000] =	vst v63  }
0x172: {  	_ = 	snop  }
0x173: {  	[tilespmem:s31], [sflag:$0x2] =	stream.linear.gather [hbm4b:s24+s2], $0x1000, $0x38;
	[tilespmem:$0x12000] =	vst v63  }
0x174: {  	_ =	swait.ge [sflag:s16], $0x1000  }
0x175: {  	[sflag:s16] =	ssyncset.done $0x0  }
0x176: {  	[sflag:s16] =	ssyncadd.s32 $0xFFFFF000  }
0x177: {  	_ =	swait.ge [sflag:s7], $0x8000  }
0x178: {  	[sflag:s7] =	ssyncset.done $0x0  }
0x179: {  	[sflag:s7] =	ssyncadd.s32 $0xFFFF8000  }
0x17a: {  	[tilespmem:s11], [sflag:$0x3] =	stream.indirect.gather [hbm4b:s3+s31], $0x8, s2, s31, $0xb8;
	[tilespmem:$0x12000] =	vst v63  }
0x17b: {  	_ =	swait.ge [sflag:s15], $0x8000  }
0x17c: {  	[sflag:s15] =	ssyncset.done $0x0  }
0x17d: {  	[sflag:s15] =	ssyncadd.s32 $0xFFFF8000  }
0x17e: {  	[hbm4b:s21+s2] =	stream.linear.scatter [tilespmem:s11], [sflag:$0x5], $0x8000, $0x38;
	[tilespmem:$0x12000] =	vst v63  }
0x17f: {  	_ = 	snop  }
0x180: {  	[tilespmem:s2], [sflag:$0x1] =	stream.linear.gather [hbm4b:s22+s2], $0x1000, $0x38;
	[tilespmem:$0x12000] =	vst v63  }
0x181: {  	_ =	swait.ge [sflag:s12], $0x1000  }
0x182: {  	[sflag:s12] =	ssyncset.done $0x0  }
0x183: {  	[sflag:s12] =	ssyncadd.s32 $0xFFFFF000  }
0x184: {  	_ =	swait.ge [sflag:s6], $0x8000  }
0x185: {  	[sflag:s6] =	ssyncset.done $0x0  }
0x186: {  	[sflag:s6] =	ssyncadd.s32 $0xFFFF8000  }
0x187: {  	[tilespmem:s9], [sflag:$0x4] =	stream.indirect.gather [hbm4b:s3+s31], $0x8, s31, s31, $0xb8;
	[tilespmem:$0x12000] =	vst v63  }
0x188: {  	_ =	swait.ge [sflag:s10], $0x8000  }
0x189: {  	[sflag:s10] =	ssyncset.done $0x0  }
0x18a: {  	[sflag:s10] =	ssyncadd.s32 $0xFFFF8000  }
0x18b: {  	[hbm4b:s13+s2] =	stream.linear.scatter [tilespmem:s9], [sflag:$0x6], $0x8000, $0x38;
	[tilespmem:$0x12000] =	vst v63  }
0x18c: {  	_ = 	snop  }
0x18d: {  	[tilespmem:s31], [sflag:$0x2] =	stream.linear.gather [hbm4b:s20+s2], $0x1000, $0x38;
	[tilespmem:$0x12000] =	vst v63  }
0x18e: {  	_ =	swait.ge [sflag:s16], $0x1000  }
0x18f: {  	[sflag:s16] =	ssyncset.done $0x0  }
0x190: {  	[sflag:s16] =	ssyncadd.s32 $0xFFFFF000  }
0x191: {  	_ =	swait.ge [sflag:s7], $0x8000  }
0x192: {  	[sflag:s7] =	ssyncset.done $0x0  }
0x193: {  	[sflag:s7] =	ssyncadd.s32 $0xFFFF8000  }
0x194: {  	[tilespmem:s11], [sflag:$0x3] =	stream.indirect.gather [hbm4b:s3+s31], $0x8, s2, s31, $0xb8;
	[tilespmem:$0x12000] =	vst v63  }
0x195: {  	_ =	swait.ge [sflag:s15], $0x8000  }
0x196: {  	s1 =	smov.u32 s8;
	[sflag:s15] =	ssyncset.done $0x0  }
0x197: {  	s8 =	smov.u32 s14;
	s14 =	smov.u32 s18;
	[sflag:s15] =	ssyncadd.s32 $0xFFFF8000  }
0x198: {  	[hbm4b:s14+s2] =	stream.linear.scatter [tilespmem:s11], [sflag:$0x5], $0x8000, $0x38;
	[tilespmem:$0x12000] =	vst v63  }
0x199: {  	_ = 	snop  }
0x19a: {  	[tilespmem:s2], [sflag:$0x1] =	stream.linear.gather [hbm4b:s19+s2], $0x1000, $0x38;
	[tilespmem:$0x12000] =	vst v63  }
0x19b: {  	_ =	swait.ge [sflag:s12], $0x1000  }
0x19c: {  	[sflag:s12] =	ssyncset.done $0x0  }
0x19d: {  	[sflag:s12] =	ssyncadd.s32 $0xFFFFF000  }
0x19e: {  	_ =	swait.ge [sflag:s6], $0x8000  }
0x19f: {  	[sflag:s6] =	ssyncset.done $0x0  }
0x1a0: {  	[sflag:s6] =	ssyncadd.s32 $0xFFFF8000  }
0x1a1: {  	[tilespmem:s9], [sflag:$0x4] =	stream.indirect.gather [hbm4b:s3+s31], $0x8, s31, s31, $0xb8;
	[tilespmem:$0x12000] =	vst v63  }
0x1a2: {  	_ =	swait.ge [sflag:s10], $0x8000  }
0x1a3: {  	[sflag:s10] =	ssyncset.done $0x0  }
0x1a4: {  	[sflag:s10] =	ssyncadd.s32 $0xFFFF8000  }
0x1a5: {  	[hbm4b:s8+s2] =	stream.linear.scatter [tilespmem:s9], [sflag:$0x6], $0x8000, $0x38;
	[tilespmem:$0x12000] =	vst v63  }
0x1a6: {  	_ = 	snop  }
0x1a7: {  	[tilespmem:s31], [sflag:$0x2] =	stream.linear.gather [hbm4b:s17+s2], $0x1000, $0x38;
	[tilespmem:$0x12000] =	vst v63  }
0x1a8: {  	_ =	swait.ge [sflag:s16], $0x1000  }
0x1a9: {  	[sflag:s16] =	ssyncset.done $0x0  }
0x1aa: {  	[sflag:s16] =	ssyncadd.s32 $0xFFFFF000  }
0x1ab: {  	_ =	swait.ge [sflag:s7], $0x8000  }
0x1ac: {  	[sflag:s7] =	ssyncset.done $0x0  }
0x1ad: {  	[sflag:s7] =	ssyncadd.s32 $0xFFFF8000  }
0x1ae: {  	[tilespmem:s11], [sflag:$0x3] =	stream.indirect.gather [hbm4b:s3+s31], $0x8, s2, s31, $0xb8;
	[tilespmem:$0x12000] =	vst v63  }
0x1af: {  	_ =	swait.ge [sflag:s15], $0x8000  }
0x1b0: {  	[sflag:s15] =	ssyncset.done $0x0  }
0x1b1: {  	[sflag:s15] =	ssyncadd.s32 $0xFFFF8000  }
0x1b2: {  	[hbm4b:s5+s2] =	stream.linear.scatter [tilespmem:s11], [sflag:$0x5], $0x8000, $0x38;
	[tilespmem:$0x12000] =	vst v63  }
0x1b3: {  	_ =	swait.ge [sflag:s12], $0x1000  }
0x1b4: {  	[sflag:s12] =	ssyncset.done $0x0  }
0x1b5: {  	[sflag:s12] =	ssyncadd.s32 $0xFFFFF000  }
0x1b6: {  	_ =	swait.ge [sflag:s6], $0x8000  }
0x1b7: {  	[sflag:s6] =	ssyncset.done $0x0  }
0x1b8: {  	[sflag:s6] =	ssyncadd.s32 $0xFFFF8000  }
0x1b9: {  	[tilespmem:s9], [sflag:$0x4] =	stream.indirect.gather [hbm4b:s3+s31], $0x8, s31, s31, $0xb8;
	[tilespmem:$0x12000] =	vst v63  }
0x1ba: {  	_ =	swait.ge [sflag:s10], $0x8000  }
0x1bb: {  	[sflag:s10] =	ssyncset.done $0x0  }
0x1bc: {  	p1 =	sne.s32 s0, $0x1;
	[sflag:s10] =	ssyncadd.s32 $0xFFFF8000  }
0x1bd: {  	[hbm4b:s1+s2] =	stream.linear.scatter [tilespmem:s9], [sflag:$0x6], $0x8000, $0x38;
	[tilespmem:$0x12000] =	vst v63  }
.Ltmp2:
0x1be: {  	_ =	swait.ge [sflag:s7], $0x8000;
	(pc) =	sbr.rel @p1 .LBB2_2-.Ltmp2, $4  }
0x1bf: {  	[sflag:s7] =	ssyncset.done $0x0  }
0x1c0: {  	s0 =	sadd.s32 $0xFFFFFFFF, s0;
	s18 =	smov.u32 s14;
	[sflag:s7] =	ssyncadd.s32 $0xFFFF8000  }
0x1c1: {  	s13 =	smov.u32 s5;
	s14 =	smov.u32 s8;
	_ =	swait.ge [sflag:s6], $0x8000  }
0x1c2: {  	s8 =	smov.u32 s1;
	s1 =	rddreg [dreg:$0x3];
	[sflag:s6] =	ssyncset.done $0x0  }
.LBB2_3:
0x1c3: {  	[sflag:s6] =	ssyncadd.s32 @p0 $0xFFFF8000  }
0x1c4: {  	[tilespmem:s2], [sflag:$0x1] =	stream.linear.gather [hbm4b:s1+s2], $0x1000, $0x38;
	[tilespmem:$0x12000] =	vst v63  }
0x1c5: {  	s0 =	rddreg [dreg:$0x4]  }
0x1c6: {  	[tilespmem:s31], [sflag:$0x2] =	stream.linear.gather [hbm4b:s0+s2], $0x1000, $0x38;
	[tilespmem:$0x12000] =	vst v63  }
0x1c7: {  	_ =	swait.ge [sflag:s16], $0x1000  }
0x1c8: {  	[sflag:s16] =	ssyncset.done $0x0  }
0x1c9: {  	[sflag:s16] =	ssyncadd.s32 $0xFFFFF000  }
0x1ca: {  	[tilespmem:s11], [sflag:$0x3] =	stream.indirect.gather [hbm4b:s3+s31], $0x8, s2, s31, $0xb8;
	[tilespmem:$0x12000] =	vst v63  }
0x1cb: {  	_ =	swait.ge [sflag:s15], $0x8000  }
0x1cc: {  	[sflag:s15] =	ssyncset.done $0x0  }
0x1cd: {  	s1 =	rddreg [dreg:$0x5];
	[sflag:s15] =	ssyncadd.s32 $0xFFFF8000  }
0x1ce: {  	[hbm4b:s1+s2] =	stream.linear.scatter [tilespmem:s11], [sflag:$0x5], $0x8000, $0x38;
	[tilespmem:$0x12000] =	vst v63  }
0x1cf: {  	s5 =	rddreg [dreg:$0x6]  }
0x1d0: {  	[tilespmem:s2], [sflag:$0x1] =	stream.linear.gather [hbm4b:s5+s2], $0x1000, $0x38;
	[tilespmem:$0x12000] =	vst v63  }
0x1d1: {  	_ =	swait.ge [sflag:s12], $0x1000  }
0x1d2: {  	[sflag:s12] =	ssyncset.done $0x0  }
0x1d3: {  	[sflag:s12] =	ssyncadd.s32 $0xFFFFF000  }
0x1d4: {  	[tilespmem:s9], [sflag:$0x4] =	stream.indirect.gather [hbm4b:s3+s31], $0x8, s31, s31, $0xb8;
	[tilespmem:$0x12000] =	vst v63  }
0x1d5: {  	_ =	swait.ge [sflag:s10], $0x8000  }
0x1d6: {  	[sflag:s10] =	ssyncset.done $0x0  }
0x1d7: {  	s1 =	rddreg [dreg:$0x7];
	[sflag:s10] =	ssyncadd.s32 $0xFFFF8000  }
0x1d8: {  	[hbm4b:s1+s2] =	stream.linear.scatter [tilespmem:s9], [sflag:$0x6], $0x8000, $0x38;
	[tilespmem:$0x12000] =	vst v63  }
0x1d9: {  	s5 =	rddreg [dreg:$0x8]  }
0x1da: {  	[tilespmem:s31], [sflag:$0x2] =	stream.linear.gather [hbm4b:s5+s2], $0x1000, $0x38;
	[tilespmem:$0x12000] =	vst v63  }
0x1db: {  	_ =	swait.ge [sflag:s16], $0x1000  }
0x1dc: {  	[sflag:s16] =	ssyncset.done $0x0  }
0x1dd: {  	[sflag:s16] =	ssyncadd.s32 $0xFFFFF000  }
0x1de: {  	_ =	swait.ge [sflag:s7], $0x8000  }
0x1df: {  	[sflag:s7] =	ssyncset.done $0x0  }
0x1e0: {  	[sflag:s7] =	ssyncadd.s32 $0xFFFF8000  }
0x1e1: {  	[tilespmem:s11], [sflag:$0x3] =	stream.indirect.gather [hbm4b:s3+s31], $0x8, s2, s31, $0xb8;
	[tilespmem:$0x12000] =	vst v63  }
0x1e2: {  	_ =	swait.ge [sflag:s15], $0x8000  }
0x1e3: {  	[sflag:s15] =	ssyncset.done $0x0  }
0x1e4: {  	s1 =	rddreg [dreg:$0x9];
	[sflag:s15] =	ssyncadd.s32 $0xFFFF8000  }
0x1e5: {  	[hbm4b:s1+s2] =	stream.linear.scatter [tilespmem:s11], [sflag:$0x5], $0x8000, $0x38;
	[tilespmem:$0x12000] =	vst v63  }
0x1e6: {  	s5 =	rddreg [dreg:$0xa]  }
0x1e7: {  	[tilespmem:s2], [sflag:$0x1] =	stream.linear.gather [hbm4b:s5+s2], $0x1000, $0x38;
	[tilespmem:$0x12000] =	vst v63  }
0x1e8: {  	_ =	swait.ge [sflag:s12], $0x1000  }
0x1e9: {  	[sflag:s12] =	ssyncset.done $0x0  }
0x1ea: {  	[sflag:s12] =	ssyncadd.s32 $0xFFFFF000  }
0x1eb: {  	_ =	swait.ge [sflag:s6], $0x8000  }
0x1ec: {  	[sflag:s6] =	ssyncset.done $0x0  }
0x1ed: {  	[sflag:s6] =	ssyncadd.s32 $0xFFFF8000  }
0x1ee: {  	[tilespmem:s9], [sflag:$0x4] =	stream.indirect.gather [hbm4b:s3+s31], $0x8, s31, s31, $0xb8;
	[tilespmem:$0x12000] =	vst v63  }
0x1ef: {  	_ =	swait.ge [sflag:s10], $0x8000  }
0x1f0: {  	[sflag:s10] =	ssyncset.done $0x0  }
0x1f1: {  	s1 =	rddreg [dreg:$0xb];
	[sflag:s10] =	ssyncadd.s32 $0xFFFF8000  }
0x1f2: {  	[hbm4b:s1+s2] =	stream.linear.scatter [tilespmem:s9], [sflag:$0x6], $0x8000, $0x38;
	[tilespmem:$0x12000] =	vst v63  }
0x1f3: {  	s5 =	rddreg [dreg:$0xc]  }
0x1f4: {  	[tilespmem:s31], [sflag:$0x2] =	stream.linear.gather [hbm4b:s5+s2], $0x1000, $0x38;
	[tilespmem:$0x12000] =	vst v63  }
0x1f5: {  	_ =	swait.ge [sflag:s16], $0x1000  }
0x1f6: {  	[sflag:s16] =	ssyncset.done $0x0  }
0x1f7: {  	[sflag:s16] =	ssyncadd.s32 $0xFFFFF000  }
0x1f8: {  	_ =	swait.ge [sflag:s7], $0x8000  }
0x1f9: {  	[sflag:s7] =	ssyncset.done $0x0  }
0x1fa: {  	[sflag:s7] =	ssyncadd.s32 $0xFFFF8000  }
0x1fb: {  	[tilespmem:s11], [sflag:$0x3] =	stream.indirect.gather [hbm4b:s3+s31], $0x8, s2, s31, $0xb8;
	[tilespmem:$0x12000] =	vst v63  }
0x1fc: {  	_ =	swait.ge [sflag:s15], $0x8000  }
0x1fd: {  	[sflag:s15] =	ssyncset.done $0x0  }
0x1fe: {  	s1 =	rddreg [dreg:$0xd];
	[sflag:s15] =	ssyncadd.s32 $0xFFFF8000  }
0x1ff: {  	[hbm4b:s1+s2] =	stream.linear.scatter [tilespmem:s11], [sflag:$0x5], $0x8000, $0x38;
	[tilespmem:$0x12000] =	vst v63  }
0x200: {  	s5 =	rddreg [dreg:$0xe]  }
0x201: {  	[tilespmem:s2], [sflag:$0x1] =	stream.linear.gather [hbm4b:s5+s2], $0x1000, $0x38;
	[tilespmem:$0x12000] =	vst v63  }
0x202: {  	_ =	swait.ge [sflag:s12], $0x1000  }
0x203: {  	[sflag:s12] =	ssyncset.done $0x0  }
0x204: {  	[sflag:s12] =	ssyncadd.s32 $0xFFFFF000  }
0x205: {  	_ =	swait.ge [sflag:s6], $0x8000  }
0x206: {  	[sflag:s6] =	ssyncset.done $0x0  }
0x207: {  	[sflag:s6] =	ssyncadd.s32 $0xFFFF8000  }
0x208: {  	[tilespmem:s9], [sflag:$0x4] =	stream.indirect.gather [hbm4b:s3+s31], $0x8, s31, s31, $0xb8;
	[tilespmem:$0x12000] =	vst v63  }
0x209: {  	_ =	swait.ge [sflag:s10], $0x8000  }
0x20a: {  	[sflag:s10] =	ssyncset.done $0x0  }
0x20b: {  	s1 =	rddreg [dreg:$0xf];
	[sflag:s10] =	ssyncadd.s32 $0xFFFF8000  }
0x20c: {  	[hbm4b:s1+s2] =	stream.linear.scatter [tilespmem:s9], [sflag:$0x6], $0x8000, $0x38;
	[tilespmem:$0x12000] =	vst v63  }
0x20d: {  	s5 =	rddreg [dreg:$0x10]  }
0x20e: {  	[tilespmem:s31], [sflag:$0x2] =	stream.linear.gather [hbm4b:s5+s2], $0x1000, $0x38;
	[tilespmem:$0x12000] =	vst v63  }
0x20f: {  	_ =	swait.ge [sflag:s16], $0x1000  }
0x210: {  	[sflag:s16] =	ssyncset.done $0x0  }
0x211: {  	[sflag:s16] =	ssyncadd.s32 $0xFFFFF000  }
0x212: {  	_ =	swait.ge [sflag:s7], $0x8000  }
0x213: {  	[sflag:s7] =	ssyncset.done $0x0  }
0x214: {  	[sflag:s7] =	ssyncadd.s32 $0xFFFF8000  }
0x215: {  	[tilespmem:s11], [sflag:$0x3] =	stream.indirect.gather [hbm4b:s3+s31], $0x8, s2, s31, $0xb8;
	[tilespmem:$0x12000] =	vst v63  }
0x216: {  	_ =	swait.ge [sflag:s15], $0x8000  }
0x217: {  	[sflag:s15] =	ssyncset.done $0x0  }
0x218: {  	[sflag:s15] =	ssyncadd.s32 $0xFFFF8000  }
0x219: {  	[hbm4b:s30+s2] =	stream.linear.scatter [tilespmem:s11], [sflag:$0x5], $0x8000, $0x38;
	[tilespmem:$0x12000] =	vst v63  }
0x21a: {  	_ = 	snop  }
0x21b: {  	[tilespmem:s2], [sflag:$0x1] =	stream.linear.gather [hbm4b:s4+s2], $0x1000, $0x38;
	[tilespmem:$0x12000] =	vst v63  }
0x21c: {  	_ =	swait.ge [sflag:s12], $0x1000  }
0x21d: {  	[sflag:s12] =	ssyncset.done $0x0  }
0x21e: {  	[sflag:s12] =	ssyncadd.s32 $0xFFFFF000  }
0x21f: {  	_ =	swait.ge [sflag:s6], $0x8000  }
0x220: {  	[sflag:s6] =	ssyncset.done $0x0  }
0x221: {  	[sflag:s6] =	ssyncadd.s32 $0xFFFF8000  }
0x222: {  	[tilespmem:s9], [sflag:$0x4] =	stream.indirect.gather [hbm4b:s3+s31], $0x8, s31, s31, $0xb8;
	[tilespmem:$0x12000] =	vst v63  }
0x223: {  	_ =	swait.ge [sflag:s10], $0x8000  }
0x224: {  	[sflag:s10] =	ssyncset.done $0x0  }
0x225: {  	[sflag:s10] =	ssyncadd.s32 $0xFFFF8000  }
0x226: {  	[hbm4b:s28+s2] =	stream.linear.scatter [tilespmem:s9], [sflag:$0x6], $0x8000, $0x38;
	[tilespmem:$0x12000] =	vst v63  }
0x227: {  	_ = 	snop  }
0x228: {  	[tilespmem:s31], [sflag:$0x2] =	stream.linear.gather [hbm4b:s29+s2], $0x1000, $0x38;
	[tilespmem:$0x12000] =	vst v63  }
0x229: {  	_ =	swait.ge [sflag:s16], $0x1000  }
0x22a: {  	[sflag:s16] =	ssyncset.done $0x0  }
0x22b: {  	[sflag:s16] =	ssyncadd.s32 $0xFFFFF000  }
0x22c: {  	_ =	swait.ge [sflag:s7], $0x8000  }
0x22d: {  	[sflag:s7] =	ssyncset.done $0x0  }
0x22e: {  	[sflag:s7] =	ssyncadd.s32 $0xFFFF8000  }
0x22f: {  	[tilespmem:s11], [sflag:$0x3] =	stream.indirect.gather [hbm4b:s3+s31], $0x8, s2, s31, $0xb8;
	[tilespmem:$0x12000] =	vst v63  }
0x230: {  	_ =	swait.ge [sflag:s15], $0x8000  }
0x231: {  	[sflag:s15] =	ssyncset.done $0x0  }
0x232: {  	[sflag:s15] =	ssyncadd.s32 $0xFFFF8000  }
0x233: {  	[hbm4b:s25+s2] =	stream.linear.scatter [tilespmem:s11], [sflag:$0x5], $0x8000, $0x38;
	[tilespmem:$0x12000] =	vst v63  }
0x234: {  	_ = 	snop  }
0x235: {  	[tilespmem:s2], [sflag:$0x1] =	stream.linear.gather [hbm4b:s26+s2], $0x1000, $0x38;
	[tilespmem:$0x12000] =	vst v63  }
0x236: {  	_ =	swait.ge [sflag:s12], $0x1000  }
0x237: {  	[sflag:s12] =	ssyncset.done $0x0  }
0x238: {  	[sflag:s12] =	ssyncadd.s32 $0xFFFFF000  }
0x239: {  	_ =	swait.ge [sflag:s6], $0x8000  }
0x23a: {  	[sflag:s6] =	ssyncset.done $0x0  }
0x23b: {  	[sflag:s6] =	ssyncadd.s32 $0xFFFF8000  }
0x23c: {  	[tilespmem:s9], [sflag:$0x4] =	stream.indirect.gather [hbm4b:s3+s31], $0x8, s31, s31, $0xb8;
	[tilespmem:$0x12000] =	vst v63  }
0x23d: {  	_ =	swait.ge [sflag:s10], $0x8000  }
0x23e: {  	[sflag:s10] =	ssyncset.done $0x0  }
0x23f: {  	[sflag:s10] =	ssyncadd.s32 $0xFFFF8000  }
0x240: {  	[hbm4b:s23+s2] =	stream.linear.scatter [tilespmem:s9], [sflag:$0x6], $0x8000, $0x38;
	[tilespmem:$0x12000] =	vst v63  }
0x241: {  	_ = 	snop  }
0x242: {  	[tilespmem:s31], [sflag:$0x2] =	stream.linear.gather [hbm4b:s24+s2], $0x1000, $0x38;
	[tilespmem:$0x12000] =	vst v63  }
0x243: {  	_ =	swait.ge [sflag:s16], $0x1000  }
0x244: {  	[sflag:s16] =	ssyncset.done $0x0  }
0x245: {  	[sflag:s16] =	ssyncadd.s32 $0xFFFFF000  }
0x246: {  	_ =	swait.ge [sflag:s7], $0x8000  }
0x247: {  	[sflag:s7] =	ssyncset.done $0x0  }
0x248: {  	[sflag:s7] =	ssyncadd.s32 $0xFFFF8000  }
0x249: {  	[tilespmem:s11], [sflag:$0x3] =	stream.indirect.gather [hbm4b:s3+s31], $0x8, s2, s31, $0xb8;
	[tilespmem:$0x12000] =	vst v63  }
0x24a: {  	_ =	swait.ge [sflag:s15], $0x8000  }
0x24b: {  	[sflag:s15] =	ssyncset.done $0x0  }
0x24c: {  	[sflag:s15] =	ssyncadd.s32 $0xFFFF8000  }
0x24d: {  	[hbm4b:s21+s2] =	stream.linear.scatter [tilespmem:s11], [sflag:$0x5], $0x8000, $0x38;
	[tilespmem:$0x12000] =	vst v63  }
0x24e: {  	_ = 	snop  }
0x24f: {  	[tilespmem:s2], [sflag:$0x1] =	stream.linear.gather [hbm4b:s22+s2], $0x1000, $0x38;
	[tilespmem:$0x12000] =	vst v63  }
0x250: {  	_ =	swait.ge [sflag:s12], $0x1000  }
0x251: {  	[sflag:s12] =	ssyncset.done $0x0  }
0x252: {  	[sflag:s12] =	ssyncadd.s32 $0xFFFFF000  }
0x253: {  	_ =	swait.ge [sflag:s6], $0x8000  }
0x254: {  	[sflag:s6] =	ssyncset.done $0x0  }
0x255: {  	[sflag:s6] =	ssyncadd.s32 $0xFFFF8000  }
0x256: {  	[tilespmem:s9], [sflag:$0x4] =	stream.indirect.gather [hbm4b:s3+s31], $0x8, s31, s31, $0xb8;
	[tilespmem:$0x12000] =	vst v63  }
0x257: {  	_ =	swait.ge [sflag:s10], $0x8000  }
0x258: {  	[sflag:s10] =	ssyncset.done $0x0  }
0x259: {  	s30 =	rddreg [dreg:$0x12];
	[sflag:s10] =	ssyncadd.s32 $0xFFFF8000  }
0x25a: {  	[hbm4b:s30+s2] =	stream.linear.scatter [tilespmem:s9], [sflag:$0x6], $0x8000, $0x38;
	[tilespmem:$0x12000] =	vst v63  }
0x25b: {  	_ = 	snop  }
0x25c: {  	[tilespmem:s31], [sflag:$0x2] =	stream.linear.gather [hbm4b:s20+s2], $0x1000, $0x38;
	[tilespmem:$0x12000] =	vst v63  }
0x25d: {  	_ =	swait.ge [sflag:s16], $0x1000  }
0x25e: {  	[sflag:s16] =	ssyncset.done $0x0  }
0x25f: {  	[sflag:s16] =	ssyncadd.s32 $0xFFFFF000  }
0x260: {  	_ =	swait.ge [sflag:s7], $0x8000  }
0x261: {  	[sflag:s7] =	ssyncset.done $0x0  }
0x262: {  	[sflag:s7] =	ssyncadd.s32 $0xFFFF8000  }
0x263: {  	[tilespmem:s11], [sflag:$0x3] =	stream.indirect.gather [hbm4b:s3+s31], $0x8, s2, s31, $0xb8;
	[tilespmem:$0x12000] =	vst v63  }
0x264: {  	_ =	swait.ge [sflag:s15], $0x8000  }
0x265: {  	[sflag:s15] =	ssyncset.done $0x0  }
0x266: {  	[sflag:s15] =	ssyncadd.s32 $0xFFFF8000  }
0x267: {  	[hbm4b:s18+s2] =	stream.linear.scatter [tilespmem:s11], [sflag:$0x5], $0x8000, $0x38;
	[tilespmem:$0x12000] =	vst v63  }
0x268: {  	_ = 	snop  }
0x269: {  	[tilespmem:s2], [sflag:$0x1] =	stream.linear.gather [hbm4b:s19+s2], $0x1000, $0x38;
	[tilespmem:$0x12000] =	vst v63  }
0x26a: {  	_ =	swait.ge [sflag:s12], $0x1000  }
0x26b: {  	[sflag:s12] =	ssyncset.done $0x0  }
0x26c: {  	[sflag:s12] =	ssyncadd.s32 $0xFFFFF000  }
0x26d: {  	_ =	swait.ge [sflag:s6], $0x8000  }
0x26e: {  	[sflag:s6] =	ssyncset.done $0x0  }
0x26f: {  	[sflag:s6] =	ssyncadd.s32 $0xFFFF8000  }
0x270: {  	[tilespmem:s9], [sflag:$0x4] =	stream.indirect.gather [hbm4b:s3+s31], $0x8, s31, s31, $0xb8;
	[tilespmem:$0x12000] =	vst v63  }
0x271: {  	_ =	swait.ge [sflag:s10], $0x8000  }
0x272: {  	[sflag:s10] =	ssyncset.done $0x0  }
0x273: {  	[sflag:s10] =	ssyncadd.s32 $0xFFFF8000  }
0x274: {  	[hbm4b:s14+s2] =	stream.linear.scatter [tilespmem:s9], [sflag:$0x6], $0x8000, $0x38;
	[tilespmem:$0x12000] =	vst v63  }
0x275: {  	_ = 	snop  }
0x276: {  	[tilespmem:s31], [sflag:$0x2] =	stream.linear.gather [hbm4b:s17+s2], $0x1000, $0x38;
	[tilespmem:$0x12000] =	vst v63  }
0x277: {  	_ =	swait.ge [sflag:s16], $0x1000  }
0x278: {  	[sflag:s16] =	ssyncset.done $0x0  }
0x279: {  	[sflag:s16] =	ssyncadd.s32 $0xFFFFF000  }
0x27a: {  	_ =	swait.ge [sflag:s7], $0x8000  }
0x27b: {  	[sflag:s7] =	ssyncset.done $0x0  }
0x27c: {  	[sflag:s7] =	ssyncadd.s32 $0xFFFF8000  }
0x27d: {  	[tilespmem:s11], [sflag:$0x3] =	stream.indirect.gather [hbm4b:s3+s31], $0x8, s2, s31, $0xb8;
	[tilespmem:$0x12000] =	vst v63  }
0x27e: {  	_ =	swait.ge [sflag:s15], $0x8000  }
0x27f: {  	[sflag:s15] =	ssyncset.done $0x0  }
0x280: {  	[sflag:s15] =	ssyncadd.s32 $0xFFFF8000  }
0x281: {  	[hbm4b:s13+s2] =	stream.linear.scatter [tilespmem:s11], [sflag:$0x5], $0x8000, $0x38;
	[tilespmem:$0x12000] =	vst v63  }
0x282: {  	_ =	swait.ge [sflag:s12], $0x1000  }
0x283: {  	[sflag:s12] =	ssyncset.done $0x0  }
0x284: {  	[sflag:s12] =	ssyncadd.s32 $0xFFFFF000  }
0x285: {  	_ =	swait.ge [sflag:s6], $0x8000  }
0x286: {  	[sflag:s6] =	ssyncset.done $0x0  }
0x287: {  	[sflag:s6] =	ssyncadd.s32 $0xFFFF8000  }
0x288: {  	[tilespmem:s9], [sflag:$0x4] =	stream.indirect.gather [hbm4b:s3+s31], $0x8, s31, s31, $0xb8;
	[tilespmem:$0x12000] =	vst v63  }
0x289: {  	_ =	swait.ge [sflag:s10], $0x8000  }
0x28a: {  	[sflag:s10] =	ssyncset.done $0x0  }
0x28b: {  	[sflag:s10] =	ssyncadd.s32 $0xFFFF8000  }
0x28c: {  	[hbm4b:s8+s2] =	stream.linear.scatter [tilespmem:s9], [sflag:$0x6], $0x8000, $0x38;
	[tilespmem:$0x12000] =	vst v63  }
0x28d: {  	_ =	swait.ge [sflag:s7], $0x8000  }
0x28e: {  	[sflag:s7] =	ssyncset.done $0x0  }
0x28f: {  	[sflag:s7] =	ssyncadd.s32 $0xFFFF8000  }
0x290: {  	_ =	swait.ge [sflag:s6], $0x8000  }
0x291: {  	[sflag:s6] =	ssyncset.done $0x0  }
0x292: {  	[sflag:s6] =	ssyncadd.s32 $0xFFFF8000  }
0x293: {  	_ =	sfence.sel $0x180000  }
0x294: {  	[bflag:$0x0] =	sbarrier.arrive $0xFFFF  }
0x295: {  	_ =	strace $0x90000047  }
0x296: {  	s31 =	stileid.u32;
	[bflag:$0x2] =	sbarrier.arrive $0xFFFF  }
0x297: {  	p0 =	sne.s32 s31, $0x0;
	s0 =	rddreg [dreg:$0x2]  }
0x298: {  	s0 =	sadd.s32 @!p0 $0x100000, s0  }
0x299: {  	[sflag:s0] =	ssyncadd.tile.s32 @!p0 $0x1;
	_ =	shalt  }
.Lfunc_end2:
_tile_overlayer_lowered:
.L_overlay_start_2:
0x29a: {  	(tag) =	ssettag $0x2  }
0x29b: {  	s0 =	rddreg [dreg:$0x0];
	s2 =	stileid.u32  }
0x29c: {  	s1 =	rddreg [dreg:$0x1];
	p0 =	sne.s32 s2, $0x0  }
0x29d: {  	s3 =	rddreg [dreg:$0x2];
	[bflag:$0x3] =	sbarrier.arrive $0xFFFF;
	s2 =	simm.s32 @!p0 $0x1C07  }
0x29e: {  	[timem:s3], [sflag:s2] =	dma.local @!p0 [hbm:s0], s1  }
0x29f: {  	s0 =	simm.s32 @!p0 $0x7  }
0x2a0: {  	_ =	swait.ge @!p0 [sflag:s0], s1  }
0x2a1: {  	s1 =	ssub.s32 @!p0 $0x0, s1;
	[sflag:s0] =	ssyncset.done @!p0 $0x0  }
0x2a2: {  	[sflag:s0] =	ssyncadd.s32 @!p0 s1  }
0x2a3: {  	[bflag:$0x3] =	sbarrier.arrive $0xFFFF  }
0x2a4: {  	_ =	shalt  }

</sc_bundles>
